<compile_context>
chip_gen: v7x
topology: tpu7x:2x2x1
jax: 0.10.2.dev20260603
libtpu: 0.0.44.dev20260713+nightly
codegen_flags: <defaults>
</compile_context>

<pallas_src>
import functools

import jax
import jax.numpy as jnp
from jax import lax
from jax.experimental import pallas as pl
from jax.experimental.pallas import tpu as pltpu
from jax.experimental.pallas import tpu_sc as plsc

VOCAB = 1000
VPAD = 1024
LSE_PAD = 1024
BATCH, SEQ = 1024, 50
NTOK = BATCH * SEQ
NC, NS = 2, 16
NW = NC * NS
BPW = BATCH // NW
TPW = NTOK // NW
SEQ_P = 56
LCH = 80
NLCH = TPW // LCH


def _lse_body(tab_ref, out_ref):
    x = tab_ref[...]
    m = jnp.max(x, axis=1, keepdims=True)
    s = jnp.sum(jnp.exp(x - m), axis=1, keepdims=True)
    out_ref[...] = m + jnp.log(s)


_lse_call = pl.pallas_call(
    _lse_body,
    out_shape=jax.ShapeDtypeStruct((VOCAB, 1), jnp.float32),
)


def _gather_body(table_hbm, idx_hbm, out_hbm, idx_v, rows_v,
                 gsem0, gsem1, wsem0, wsem1):
    c = lax.axis_index("c")
    s = lax.axis_index("s")
    wid = s * NC + c
    base = wid * BPW

    pltpu.sync_copy(idx_hbm.at[pl.ds(wid * (BPW * 64), BPW * 64)], idx_v)

    gsems = [gsem0, gsem1]
    wsems = [wsem0, wsem1]

    def gather(g, slot, sem):
        return pltpu.make_async_copy(
            table_hbm.at[idx_v.at[pl.ds(g * 64, SEQ_P)]], rows_v.at[slot],
            sem)

    def write(g, slot, sem):
        return pltpu.make_async_copy(rows_v.at[slot], out_hbm.at[base + g],
                                     sem)

    gather(0, 0, gsem0).start()

    def pair_body(t, _):
        for b in range(2):
            g = t * 2 + b
            other = 1 - b
            @pl.when(g + 1 < BPW)
            def _():
                @pl.when(g >= 1)
                def _():
                    write(g - 1, other, wsems[other]).wait()
                gather(g + 1, other, gsems[other]).start()
            gather(g, b, gsems[b]).wait()
            write(g, b, wsems[b]).start()
        return 0

    lax.fori_loop(0, BPW // 2, pair_body, 0)
    write(BPW - 2, 0, wsem0).wait()
    write(BPW - 1, 1, wsem1).wait()


_gather_call = functools.partial(
    pl.kernel,
    mesh=plsc.VectorSubcoreMesh(core_axis_name="c", subcore_axis_name="s"),
    compiler_params=pltpu.CompilerParams(use_tc_tiling_on_sc=True,
                                         needs_layout_passes=False),
    out_type=jax.ShapeDtypeStruct((BATCH, SEQ_P, VPAD), jnp.float32),
    scratch_types=[
        pltpu.VMEM((BPW * 64,), jnp.int32),
        pltpu.VMEM((2, SEQ_P, VPAD), jnp.float32),
        pltpu.SemaphoreType.DMA,
        pltpu.SemaphoreType.DMA,
        pltpu.SemaphoreType.DMA,
        pltpu.SemaphoreType.DMA,
    ],
)(_gather_body)


def _loss_body(tabflat_hbm, idxflat_hbm, pickflat_hbm, lse_hbm, part_hbm,
               idx_v, pick_v, lse_v, pkv_v, acc_v, sem):
    c = lax.axis_index("c")
    s = lax.axis_index("s")
    wid = s * NC + c
    base = wid * TPW

    pltpu.sync_copy(idxflat_hbm.at[pl.ds(base, TPW)], idx_v)
    pltpu.sync_copy(pickflat_hbm.at[pl.ds(base, TPW)], pick_v)
    pltpu.sync_copy(lse_hbm, lse_v)

    def chunk_body(g, acc):
        pltpu.async_copy(tabflat_hbm.at[pick_v.at[pl.ds(g * LCH, LCH)]],
                         pkv_v, sem).wait()
        for h in range(LCH // 16):
            ixh = idx_v[pl.ds(g * LCH + h * 16, 16)]
            ls = plsc.load_gather(lse_v, [ixh])
            acc = acc + (ls - pkv_v[pl.ds(h * 16, 16)])
        return acc

    acc = lax.fori_loop(0, NLCH, chunk_body, jnp.zeros((16,), jnp.float32))
    acc_v[...] = acc
    pltpu.sync_copy(acc_v, part_hbm.at[wid])


_loss_call = functools.partial(
    pl.kernel,
    mesh=plsc.VectorSubcoreMesh(core_axis_name="c", subcore_axis_name="s"),
    compiler_params=pltpu.CompilerParams(use_tc_tiling_on_sc=False,
                                         needs_layout_passes=False),
    out_type=jax.ShapeDtypeStruct((NW, 16), jnp.float32),
    scratch_types=[
        pltpu.VMEM((TPW,), jnp.int32),
        pltpu.VMEM((TPW,), jnp.int32),
        pltpu.VMEM((LSE_PAD,), jnp.float32),
        pltpu.VMEM((LCH,), jnp.float32),
        pltpu.VMEM((16,), jnp.float32),
        pltpu.SemaphoreType.DMA,
    ],
)(_loss_body)


def _reduce_body(part_ref, out_ref):
    out_ref[...] = jnp.sum(part_ref[...], keepdims=True).reshape(1, 1) * (
        1.0 / NTOK)


_reduce_call = pl.pallas_call(
    _reduce_body,
    out_shape=jax.ShapeDtypeStruct((1, 1), jnp.float32),
)


@jax.jit
def kernel(idx, targets, table):
    idx32 = idx.astype(jnp.int32)
    tgt32 = targets.astype(jnp.int32)
    table_p = jnp.pad(table, ((0, 0), (0, VPAD - VOCAB)))
    idxp1 = jnp.pad(idx32, ((0, 0), (0, 64 - SEQ)), mode="edge").reshape(-1)
    idxflat = idx32.reshape(-1)
    pickflat = idxflat * VPAD + tgt32.reshape(-1)
    lse = _lse_call(table)
    lse_p = jnp.pad(lse.reshape(-1), (0, LSE_PAD - VOCAB))
    logits = _gather_call(table_p, idxp1)[:, :SEQ, :VOCAB]
    parts = _loss_call(table_p.reshape(-1), idxflat, pickflat, lse_p)
    loss = _reduce_call(parts)[0, 0]
    return logits, loss

# --- scband reference (transcript-rebuilt; emitter-appended) ---
"""Pipeline reference for scband-bigram-language-model-24017457119647 (READ-ONLY COPY).

The authoritative reference and input builder live on the scoring server;
editing this copy changes nothing except your own understanding.
"""

import jax, jax.numpy as jnp
import numpy as np

VOCAB = 1000
B, T = 1024, 50

def setup_inputs(seed: int = 0) -> dict:
    key = jax.random.key(seed)
    k1, k2, k3 = jax.random.split(key, 3)
    idx = jax.random.randint(k1, (B, T), 0, VOCAB, dtype=jnp.int64 if jax.config.jax_enable_x64 else jnp.int32)
    targets = jax.random.randint(k2, (B, T), 0, VOCAB, dtype=jnp.int64 if jax.config.jax_enable_x64 else jnp.int32)
    table = jax.random.normal(k3, (VOCAB, VOCAB), dtype=jnp.float32) * 0.02
    return {"idx": idx, "targets": targets, "table": table}

def reference(idx, targets, table):
    # logits = embedding_table(idx): gather rows of [vocab, vocab] table
    logits = jnp.take(table, idx, axis=0)  # [B, T, C]
    Bs, Ts, C = logits.shape
    logits_flat = logits.reshape(Bs * Ts, C)
    targets_flat = targets.reshape(Bs * Ts)
    # cross_entropy = mean over tokens of -log_softmax(logits)[target]
    logp = jax.nn.log_softmax(logits_flat, axis=-1)
    nll = -jnp.take_along_axis(logp, targets_flat[:, None], axis=1)[:, 0]
    loss = jnp.mean(nll)
    return (logits, loss)

if __name__ == "__main__":
    import jax
    _d = setup_inputs()
    print(jax.jit(kernel)(*tuple(_d.values())))

</pallas_src>

<mosaic_0001>
#map = affine_map<(d0, d1) -> (0)>
#map1 = affine_map<(d0, d1) -> (0, 0)>
module attributes {stable_mosaic.version = 14 : i64} {
  func.func @_loss_body(%arg0: i32, %arg1: i32, %arg2: memref<1024000xf32, #tpu.memory_space<hbm>>, %arg3: memref<51200xi32, #tpu.memory_space<hbm>>, %arg4: memref<51200xi32, #tpu.memory_space<hbm>>, %arg5: memref<1024xf32, #tpu.memory_space<hbm>>, %arg6: memref<32x16xf32, #tpu.memory_space<hbm>>, %arg7: memref<1600xi32, #tpu.memory_space<vmem>>, %arg8: memref<1600xi32, #tpu.memory_space<vmem>>, %arg9: memref<1024xf32, #tpu.memory_space<vmem>>, %arg10: memref<80xf32, #tpu.memory_space<vmem>>, %arg11: memref<16xf32, #tpu.memory_space<vmem>>, %arg12: memref<!tpu.dma_semaphore, #tpu.memory_space<semaphore_mem>>) attributes {dimension_semantics = [#tpu.dimension_semantics<core_parallel>, #tpu.dimension_semantics<subcore_parallel>], iteration_bounds = array<i64: 2, 16>, scalar_prefetch = 0 : i64, scratch_operands = 6 : i64, tpu.core_type = #tpu.core_type<sc_vector_subcore>, window_params = [{transform_indices = #map}, {transform_indices = #map}, {transform_indices = #map}, {transform_indices = #map}, {transform_indices = #map1}]} {
    %mul3A = arith.constant 2 : i32
    %mul3A_0 = arith.muli %arg1, %mul3A : i32
    %add3A = arith.addi %mul3A_0, %arg0 : i32
    %mul3A_1 = arith.constant 1600 : i32
    %mul3A_2 = arith.muli %add3A, %mul3A_1 : i32
    "tpu.region"() ({
      %run_scoped3A = tpu.sem_alloc : memref<!tpu.dma_semaphore, #tpu.memory_space<semaphore_mem>>
      %dma_start3A = tpu.memref_slice %arg3[%mul3A_2] : memref<51200xi32, #tpu.memory_space<hbm>> -> memref<1600xi32, #tpu.memory_space<hbm>>
      %dma_start3A_10 = tpu.memref_slice %arg3[%mul3A_2] : memref<51200xi32, #tpu.memory_space<hbm>> -> memref<1600xi32, #tpu.memory_space<hbm>>
      tpu.enqueue_dma source(%dma_start3A_10 : memref<1600xi32, #tpu.memory_space<hbm>>) target(%arg7 : memref<1600xi32, #tpu.memory_space<vmem>>) target_semaphore(%run_scoped3A : memref<!tpu.dma_semaphore, #tpu.memory_space<semaphore_mem>>)
      %dma_wait3A = tpu.memref_slice %arg3[%mul3A_2] : memref<51200xi32, #tpu.memory_space<hbm>> -> memref<1600xi32, #tpu.memory_space<hbm>>
      %dma_wait3A_11 = tpu.memref_slice %arg3[%mul3A_2] : memref<51200xi32, #tpu.memory_space<hbm>> -> memref<1600xi32, #tpu.memory_space<hbm>>
      tpu.wait_dma2 semaphore(%run_scoped3A : memref<!tpu.dma_semaphore, #tpu.memory_space<semaphore_mem>>) src(%dma_wait3A_11 : memref<1600xi32, #tpu.memory_space<hbm>>) dst(%arg7 : memref<1600xi32, #tpu.memory_space<vmem>>)
      tpu.yield
    }) : () -> ()
    "tpu.region"() ({
      %run_scoped3A = tpu.sem_alloc : memref<!tpu.dma_semaphore, #tpu.memory_space<semaphore_mem>>
      %dma_start3A = tpu.memref_slice %arg4[%mul3A_2] : memref<51200xi32, #tpu.memory_space<hbm>> -> memref<1600xi32, #tpu.memory_space<hbm>>
      %dma_start3A_10 = tpu.memref_slice %arg4[%mul3A_2] : memref<51200xi32, #tpu.memory_space<hbm>> -> memref<1600xi32, #tpu.memory_space<hbm>>
      tpu.enqueue_dma source(%dma_start3A_10 : memref<1600xi32, #tpu.memory_space<hbm>>) target(%arg8 : memref<1600xi32, #tpu.memory_space<vmem>>) target_semaphore(%run_scoped3A : memref<!tpu.dma_semaphore, #tpu.memory_space<semaphore_mem>>)
      %dma_wait3A = tpu.memref_slice %arg4[%mul3A_2] : memref<51200xi32, #tpu.memory_space<hbm>> -> memref<1600xi32, #tpu.memory_space<hbm>>
      %dma_wait3A_11 = tpu.memref_slice %arg4[%mul3A_2] : memref<51200xi32, #tpu.memory_space<hbm>> -> memref<1600xi32, #tpu.memory_space<hbm>>
      tpu.wait_dma2 semaphore(%run_scoped3A : memref<!tpu.dma_semaphore, #tpu.memory_space<semaphore_mem>>) src(%dma_wait3A_11 : memref<1600xi32, #tpu.memory_space<hbm>>) dst(%arg8 : memref<1600xi32, #tpu.memory_space<vmem>>)
      tpu.yield
    }) : () -> ()
    "tpu.region"() ({
      %run_scoped3A = tpu.sem_alloc : memref<!tpu.dma_semaphore, #tpu.memory_space<semaphore_mem>>
      tpu.enqueue_dma source(%arg5 : memref<1024xf32, #tpu.memory_space<hbm>>) target(%arg9 : memref<1024xf32, #tpu.memory_space<vmem>>) target_semaphore(%run_scoped3A : memref<!tpu.dma_semaphore, #tpu.memory_space<semaphore_mem>>)
      tpu.wait_dma2 semaphore(%run_scoped3A : memref<!tpu.dma_semaphore, #tpu.memory_space<semaphore_mem>>) src(%arg5 : memref<1024xf32, #tpu.memory_space<hbm>>) dst(%arg9 : memref<1024xf32, #tpu.memory_space<vmem>>)
      tpu.yield
    }) : () -> ()
    %broadcast_in_dim3A = arith.constant 0.000000e+00 : f32
    %broadcast_in_dim3A_3 = vector.broadcast %broadcast_in_dim3A : f32 to vector<16xf32>
    %scan3A = arith.constant 0 : i32
    %scan3A_4 = arith.constant 20 : i32
    %scan3A_5 = arith.addi %scan3A, %scan3A_4 : i32
    %scan3A_6 = arith.constant 1 : i32
    %scan3A_7 = scf.for %scan3A_10 = %scan3A to %scan3A_5 step %scan3A_6 iter_args(%scan3A_11 = %broadcast_in_dim3A_3) -> (vector<16xf32>)  : i32 {
      %mul3A_12 = arith.constant 80 : i32
      %mul3A_13 = arith.muli %scan3A_10, %mul3A_12 : i32
      %dma_start3A = tpu.memref_slice %arg8[%mul3A_13] : memref<1600xi32, #tpu.memory_space<vmem>> -> memref<80xi32, #tpu.memory_space<vmem>>
      %dma_start3A_14 = arith.constant 0 : i32
      %dma_start3A_15 = tpu.memref_slice %arg2[%dma_start3A_14] : memref<1024000xf32, #tpu.memory_space<hbm>> -> memref<1024000xf32, #tpu.memory_space<hbm>>
      tpu.enqueue_indirect_dma source(%dma_start3A_15 : memref<1024000xf32, #tpu.memory_space<hbm>>) target(%arg10 : memref<80xf32, #tpu.memory_space<vmem>>) offsets(%dma_start3A : memref<80xi32, #tpu.memory_space<vmem>>) semaphore(%arg12 : memref<!tpu.dma_semaphore, #tpu.memory_space<semaphore_mem>>)
      %dma_wait3A = tpu.memref_slice %arg8[%mul3A_13] : memref<1600xi32, #tpu.memory_space<vmem>> -> memref<80xi32, #tpu.memory_space<vmem>>
      %dma_wait3A_16 = arith.constant 0 : i32
      %dma_wait3A_17 = tpu.memref_slice %arg2[%dma_wait3A_16] : memref<1024000xf32, #tpu.memory_space<hbm>> -> memref<1024000xf32, #tpu.memory_space<hbm>>
      tpu.wait_indirect_dma semaphore(%arg12 : memref<!tpu.dma_semaphore, #tpu.memory_space<semaphore_mem>>) src(%dma_wait3A_17 : memref<1024000xf32, #tpu.memory_space<hbm>>) dst(%arg10 : memref<80xf32, #tpu.memory_space<vmem>>)
      %mul3A_18 = arith.constant 80 : i32
      %mul3A_19 = arith.muli %scan3A_10, %mul3A_18 : i32
      %add3A_20 = arith.constant 0 : i32
      %add3A_21 = arith.addi %mul3A_19, %add3A_20 : i32
      %get3A = arith.index_cast %add3A_21 : i32 to index
      %get3A_22 = tpu.vector_load %arg7[%get3A] {strides = array<i32>} : memref<1600xi32, #tpu.memory_space<vmem>>, vector<16xi32>,
      %gather3A = tpu.vector_load_idx %arg9[%get3A_22] : memref<1024xf32, #tpu.memory_space<vmem>>[vector<16xi32>], vector<16xf32>,
      %get3A_23 = arith.constant 0 : index
      %get3A_24 = tpu.vector_load %arg10[%get3A_23] {strides = array<i32>} : memref<80xf32, #tpu.memory_space<vmem>>, vector<16xf32>,
      %sub3A = arith.subf %gather3A, %get3A_24 : vector<16xf32>
      %add3A_25 = arith.addf %scan3A_11, %sub3A : vector<16xf32>
      %mul3A_26 = arith.constant 80 : i32
      %mul3A_27 = arith.muli %scan3A_10, %mul3A_26 : i32
      %add3A_28 = arith.constant 16 : i32
      %add3A_29 = arith.addi %mul3A_27, %add3A_28 : i32
      %get3A_30 = arith.index_cast %add3A_29 : i32 to index
      %get3A_31 = tpu.vector_load %arg7[%get3A_30] {strides = array<i32>} : memref<1600xi32, #tpu.memory_space<vmem>>, vector<16xi32>,
      %gather3A_32 = tpu.vector_load_idx %arg9[%get3A_31] : memref<1024xf32, #tpu.memory_space<vmem>>[vector<16xi32>], vector<16xf32>,
      %get3A_33 = arith.constant 16 : index
      %get3A_34 = tpu.vector_load %arg10[%get3A_33] {strides = array<i32>} : memref<80xf32, #tpu.memory_space<vmem>>, vector<16xf32>,
      %sub3A_35 = arith.subf %gather3A_32, %get3A_34 : vector<16xf32>
      %add3A_36 = arith.addf %add3A_25, %sub3A_35 : vector<16xf32>
      %mul3A_37 = arith.constant 80 : i32
      %mul3A_38 = arith.muli %scan3A_10, %mul3A_37 : i32
      %add3A_39 = arith.constant 32 : i32
      %add3A_40 = arith.addi %mul3A_38, %add3A_39 : i32
      %get3A_41 = arith.index_cast %add3A_40 : i32 to index
      %get3A_42 = tpu.vector_load %arg7[%get3A_41] {strides = array<i32>} : memref<1600xi32, #tpu.memory_space<vmem>>, vector<16xi32>,
      %gather3A_43 = tpu.vector_load_idx %arg9[%get3A_42] : memref<1024xf32, #tpu.memory_space<vmem>>[vector<16xi32>], vector<16xf32>,
      %get3A_44 = arith.constant 32 : index
      %get3A_45 = tpu.vector_load %arg10[%get3A_44] {strides = array<i32>} : memref<80xf32, #tpu.memory_space<vmem>>, vector<16xf32>,
      %sub3A_46 = arith.subf %gather3A_43, %get3A_45 : vector<16xf32>
      %add3A_47 = arith.addf %add3A_36, %sub3A_46 : vector<16xf32>
      %mul3A_48 = arith.constant 80 : i32
      %mul3A_49 = arith.muli %scan3A_10, %mul3A_48 : i32
      %add3A_50 = arith.constant 48 : i32
      %add3A_51 = arith.addi %mul3A_49, %add3A_50 : i32
      %get3A_52 = arith.index_cast %add3A_51 : i32 to index
      %get3A_53 = tpu.vector_load %arg7[%get3A_52] {strides = array<i32>} : memref<1600xi32, #tpu.memory_space<vmem>>, vector<16xi32>,
      %gather3A_54 = tpu.vector_load_idx %arg9[%get3A_53] : memref<1024xf32, #tpu.memory_space<vmem>>[vector<16xi32>], vector<16xf32>,
      %get3A_55 = arith.constant 48 : index
      %get3A_56 = tpu.vector_load %arg10[%get3A_55] {strides = array<i32>} : memref<80xf32, #tpu.memory_space<vmem>>, vector<16xf32>,
      %sub3A_57 = arith.subf %gather3A_54, %get3A_56 : vector<16xf32>
      %add3A_58 = arith.addf %add3A_47, %sub3A_57 : vector<16xf32>
      %mul3A_59 = arith.constant 80 : i32
      %mul3A_60 = arith.muli %scan3A_10, %mul3A_59 : i32
      %add3A_61 = arith.constant 64 : i32
      %add3A_62 = arith.addi %mul3A_60, %add3A_61 : i32
      %get3A_63 = arith.index_cast %add3A_62 : i32 to index
      %get3A_64 = tpu.vector_load %arg7[%get3A_63] {strides = array<i32>} : memref<1600xi32, #tpu.memory_space<vmem>>, vector<16xi32>,
      %gather3A_65 = tpu.vector_load_idx %arg9[%get3A_64] : memref<1024xf32, #tpu.memory_space<vmem>>[vector<16xi32>], vector<16xf32>,
      %get3A_66 = arith.constant 64 : index
      %get3A_67 = tpu.vector_load %arg10[%get3A_66] {strides = array<i32>} : memref<80xf32, #tpu.memory_space<vmem>>, vector<16xf32>,
      %sub3A_68 = arith.subf %gather3A_65, %get3A_67 : vector<16xf32>
      %add3A_69 = arith.addf %add3A_58, %sub3A_68 : vector<16xf32>
      scf.yield %add3A_69 : vector<16xf32>
    }
    %scan3A_8 = arith.constant 20 : i32
    %swap3A = arith.constant 0 : index
    %swap3A_9 = tpu.vector_load %arg11[%swap3A] {strides = array<i32>} : memref<16xf32, #tpu.memory_space<vmem>>, vector<16xf32>,
    tpu.vector_store %arg11[%swap3A], %scan3A_7 {strides = array<i32>} : memref<16xf32, #tpu.memory_space<vmem>>, vector<16xf32>,
    "tpu.region"() ({
      %run_scoped3A = tpu.sem_alloc : memref<!tpu.dma_semaphore, #tpu.memory_space<semaphore_mem>>
      %dma_start3A = arith.constant 0 : i32
      %dma_start3A_10 = tpu.memref_slice %arg6[%add3A, %dma_start3A] : memref<32x16xf32, #tpu.memory_space<hbm>> -> memref<1x16xf32, #tpu.memory_space<hbm>>
      %dma_start3A_11 = tpu.memref_squeeze %dma_start3A_10 : memref<1x16xf32, #tpu.memory_space<hbm>> -> memref<16xf32, #tpu.memory_space<hbm>>
      %dma_start3A_12 = arith.constant 0 : i32
      %dma_start3A_13 = tpu.memref_slice %arg6[%add3A, %dma_start3A_12] : memref<32x16xf32, #tpu.memory_space<hbm>> -> memref<1x16xf32, #tpu.memory_space<hbm>>
      %dma_start3A_14 = tpu.memref_squeeze %dma_start3A_13 : memref<1x16xf32, #tpu.memory_space<hbm>> -> memref<16xf32, #tpu.memory_space<hbm>>
      tpu.enqueue_dma source(%arg11 : memref<16xf32, #tpu.memory_space<vmem>>) target(%dma_start3A_14 : memref<16xf32, #tpu.memory_space<hbm>>) target_semaphore(%run_scoped3A : memref<!tpu.dma_semaphore, #tpu.memory_space<semaphore_mem>>)
      %dma_wait3A = arith.constant 0 : i32
      %dma_wait3A_15 = tpu.memref_slice %arg6[%add3A, %dma_wait3A] : memref<32x16xf32, #tpu.memory_space<hbm>> -> memref<1x16xf32, #tpu.memory_space<hbm>>
      %dma_wait3A_16 = tpu.memref_squeeze %dma_wait3A_15 : memref<1x16xf32, #tpu.memory_space<hbm>> -> memref<16xf32, #tpu.memory_space<hbm>>
      %dma_wait3A_17 = arith.constant 0 : i32
      %dma_wait3A_18 = tpu.memref_slice %arg6[%add3A, %dma_wait3A_17] : memref<32x16xf32, #tpu.memory_space<hbm>> -> memref<1x16xf32, #tpu.memory_space<hbm>>
      %dma_wait3A_19 = tpu.memref_squeeze %dma_wait3A_18 : memref<1x16xf32, #tpu.memory_space<hbm>> -> memref<16xf32, #tpu.memory_space<hbm>>
      tpu.wait_dma2 semaphore(%run_scoped3A : memref<!tpu.dma_semaphore, #tpu.memory_space<semaphore_mem>>) src(%arg11 : memref<16xf32, #tpu.memory_space<vmem>>) dst(%dma_wait3A_19 : memref<16xf32, #tpu.memory_space<hbm>>)
      tpu.yield
    }) : () -> ()
    return
  }
}

#map = affine_map<(d0, d1) -> (0, 0)>
#map1 = affine_map<(d0, d1) -> (0)>
#map2 = affine_map<(d0, d1) -> (0, 0, 0)>
module attributes {stable_mosaic.version = 14 : i64} {
  func.func @_gather_body(%arg0: i32, %arg1: i32, %arg2: memref<1000x1024xf32, #tpu.memory_space<hbm>>, %arg3: memref<65536xi32, #tpu.memory_space<hbm>>, %arg4: memref<1024x56x1024xf32, #tpu.memory_space<hbm>>, %arg5: memref<2048xi32, #tpu.memory_space<vmem>>, %arg6: memref<2x56x1024xf32, #tpu.memory_space<vmem>>, %arg7: memref<!tpu.dma_semaphore, #tpu.memory_space<semaphore_mem>>, %arg8: memref<!tpu.dma_semaphore, #tpu.memory_space<semaphore_mem>>, %arg9: memref<!tpu.dma_semaphore, #tpu.memory_space<semaphore_mem>>, %arg10: memref<!tpu.dma_semaphore, #tpu.memory_space<semaphore_mem>>) attributes {dimension_semantics = [#tpu.dimension_semantics<core_parallel>, #tpu.dimension_semantics<subcore_parallel>], iteration_bounds = array<i64: 2, 16>, scalar_prefetch = 0 : i64, scratch_operands = 6 : i64, tpu.core_type = #tpu.core_type<sc_vector_subcore>, window_params = [{transform_indices = #map}, {transform_indices = #map1}, {transform_indices = #map2}]} {
    %mul3A = arith.constant 2 : i32
    %mul3A_0 = arith.muli %arg1, %mul3A : i32
    %add3A = arith.addi %mul3A_0, %arg0 : i32
    %mul3A_1 = arith.constant 32 : i32
    %mul3A_2 = arith.muli %add3A, %mul3A_1 : i32
    %mul3A_3 = arith.constant 2048 : i32
    %mul3A_4 = arith.muli %add3A, %mul3A_3 : i32
    "tpu.region"() ({
      %run_scoped3A = tpu.sem_alloc : memref<!tpu.dma_semaphore, #tpu.memory_space<semaphore_mem>>
      %dma_start3A_57 = tpu.memref_slice %arg3[%mul3A_4] : memref<65536xi32, #tpu.memory_space<hbm>> -> memref<2048xi32, #tpu.memory_space<hbm>>
      %dma_start3A_58 = tpu.memref_slice %arg3[%mul3A_4] : memref<65536xi32, #tpu.memory_space<hbm>> -> memref<2048xi32, #tpu.memory_space<hbm>>
      tpu.enqueue_dma source(%dma_start3A_58 : memref<2048xi32, #tpu.memory_space<hbm>>) target(%arg5 : memref<2048xi32, #tpu.memory_space<vmem>>) target_semaphore(%run_scoped3A : memref<!tpu.dma_semaphore, #tpu.memory_space<semaphore_mem>>)
      %dma_wait3A_59 = tpu.memref_slice %arg3[%mul3A_4] : memref<65536xi32, #tpu.memory_space<hbm>> -> memref<2048xi32, #tpu.memory_space<hbm>>
      %dma_wait3A_60 = tpu.memref_slice %arg3[%mul3A_4] : memref<65536xi32, #tpu.memory_space<hbm>> -> memref<2048xi32, #tpu.memory_space<hbm>>
      tpu.wait_dma2 semaphore(%run_scoped3A : memref<!tpu.dma_semaphore, #tpu.memory_space<semaphore_mem>>) src(%dma_wait3A_60 : memref<2048xi32, #tpu.memory_space<hbm>>) dst(%arg5 : memref<2048xi32, #tpu.memory_space<vmem>>)
      tpu.yield
    }) : () -> ()
    %dma_start3A = arith.constant 0 : i32
    %dma_start3A_5 = arith.constant 0 : i32
    %dma_start3A_6 = arith.constant 0 : i32
    %dma_start3A_7 = tpu.memref_slice %arg6[%dma_start3A, %dma_start3A_5, %dma_start3A_6] : memref<2x56x1024xf32, #tpu.memory_space<vmem>> -> memref<1x56x1024xf32, #tpu.memory_space<vmem>>
    %dma_start3A_8 = tpu.memref_squeeze %dma_start3A_7 : memref<1x56x1024xf32, #tpu.memory_space<vmem>> -> memref<56x1024xf32, #tpu.memory_space<vmem>>
    %dma_start3A_9 = arith.constant 0 : i32
    %dma_start3A_10 = tpu.memref_slice %arg5[%dma_start3A_9] : memref<2048xi32, #tpu.memory_space<vmem>> -> memref<56xi32, #tpu.memory_space<vmem>>
    %dma_start3A_11 = arith.constant 0 : i32
    %dma_start3A_12 = arith.constant 0 : i32
    %dma_start3A_13 = tpu.memref_slice %arg2[%dma_start3A_11, %dma_start3A_12] : memref<1000x1024xf32, #tpu.memory_space<hbm>> -> memref<1000x1024xf32, #tpu.memory_space<hbm>>
    tpu.enqueue_indirect_dma source(%dma_start3A_13 : memref<1000x1024xf32, #tpu.memory_space<hbm>>) target(%dma_start3A_8 : memref<56x1024xf32, #tpu.memory_space<vmem>>) offsets(%dma_start3A_10 : memref<56xi32, #tpu.memory_space<vmem>>) semaphore(%arg7 : memref<!tpu.dma_semaphore, #tpu.memory_space<semaphore_mem>>)
    %scan3A = arith.constant 0 : i32
    %scan3A_14 = arith.constant 0 : i32
    %scan3A_15 = arith.constant 16 : i32
    %scan3A_16 = arith.addi %scan3A_14, %scan3A_15 : i32
    %scan3A_17 = arith.constant 1 : i32
    %scan3A_18 = scf.for %scan3A_57 = %scan3A_14 to %scan3A_16 step %scan3A_17 iter_args(%scan3A_58 = %scan3A) -> (i32)  : i32 {
      %mul3A_59 = arith.constant 2 : i32
      %mul3A_60 = arith.muli %scan3A_57, %mul3A_59 : i32
      %add3A_61 = arith.constant 0 : i32
      %add3A_62 = arith.addi %mul3A_60, %add3A_61 : i32
      %add3A_63 = arith.constant 1 : i32
      %add3A_64 = arith.addi %add3A_62, %add3A_63 : i32
      %lt3A = arith.constant 32 : i32
      %lt3A_65 = arith.cmpi slt, %add3A_64, %lt3A : i32
      %convert_element_type3A = arith.extui %lt3A_65 : i1 to i32
      %cond3A = arith.constant 0 : i32
      %cond3A_66 = arith.cmpi ne, %convert_element_type3A, %cond3A : i32
      scf.if %cond3A_66 {
        %ge3A = arith.constant 1 : i32
        %ge3A_137 = arith.cmpi sge, %add3A_62, %ge3A : i32
        %convert_element_type3A_138 = arith.extui %ge3A_137 : i1 to i32
        %cond3A_139 = arith.constant 0 : i32
        %cond3A_140 = arith.cmpi ne, %convert_element_type3A_138, %cond3A_139 : i32
        scf.if %cond3A_140 {
          %sub3A = arith.constant 1 : i32
          %sub3A_154 = arith.subi %add3A_62, %sub3A : i32
          %add3A_155 = arith.addi %mul3A_2, %sub3A_154 : i32
          %dma_wait3A_156 = arith.constant 1 : i32
          %dma_wait3A_157 = arith.constant 0 : i32
          %dma_wait3A_158 = arith.constant 0 : i32
          %dma_wait3A_159 = tpu.memref_slice %arg6[%dma_wait3A_156, %dma_wait3A_157, %dma_wait3A_158] : memref<2x56x1024xf32, #tpu.memory_space<vmem>> -> memref<1x56x1024xf32, #tpu.memory_space<vmem>>
          %dma_wait3A_160 = tpu.memref_squeeze %dma_wait3A_159 : memref<1x56x1024xf32, #tpu.memory_space<vmem>> -> memref<56x1024xf32, #tpu.memory_space<vmem>>
          %dma_wait3A_161 = arith.constant 0 : i32
          %dma_wait3A_162 = arith.constant 0 : i32
          %dma_wait3A_163 = tpu.memref_slice %arg4[%add3A_155, %dma_wait3A_161, %dma_wait3A_162] : memref<1024x56x1024xf32, #tpu.memory_space<hbm>> -> memref<1x56x1024xf32, #tpu.memory_space<hbm>>
          %dma_wait3A_164 = tpu.memref_squeeze %dma_wait3A_163 : memref<1x56x1024xf32, #tpu.memory_space<hbm>> -> memref<56x1024xf32, #tpu.memory_space<hbm>>
          %dma_wait3A_165 = arith.constant 0 : i32
          %dma_wait3A_166 = arith.constant 0 : i32
          %dma_wait3A_167 = tpu.memref_slice %arg4[%add3A_155, %dma_wait3A_165, %dma_wait3A_166] : memref<1024x56x1024xf32, #tpu.memory_space<hbm>> -> memref<1x56x1024xf32, #tpu.memory_space<hbm>>
          %dma_wait3A_168 = tpu.memref_squeeze %dma_wait3A_167 : memref<1x56x1024xf32, #tpu.memory_space<hbm>> -> memref<56x1024xf32, #tpu.memory_space<hbm>>
          %dma_wait3A_169 = arith.constant 0 : i32
          %dma_wait3A_170 = arith.constant 0 : i32
          %dma_wait3A_171 = tpu.memref_slice %arg6[%dma_wait3A_156, %dma_wait3A_169, %dma_wait3A_170] : memref<2x56x1024xf32, #tpu.memory_space<vmem>> -> memref<1x56x1024xf32, #tpu.memory_space<vmem>>
          %dma_wait3A_172 = tpu.memref_squeeze %dma_wait3A_171 : memref<1x56x1024xf32, #tpu.memory_space<vmem>> -> memref<56x1024xf32, #tpu.memory_space<vmem>>
          tpu.wait_dma2 semaphore(%arg10 : memref<!tpu.dma_semaphore, #tpu.memory_space<semaphore_mem>>) src(%dma_wait3A_172 : memref<56x1024xf32, #tpu.memory_space<vmem>>) dst(%dma_wait3A_168 : memref<56x1024xf32, #tpu.memory_space<hbm>>)
        } else {
        }
        %add3A_141 = arith.constant 1 : i32
        %add3A_142 = arith.addi %add3A_62, %add3A_141 : i32
        %mul3A_143 = arith.constant 64 : i32
        %mul3A_144 = arith.muli %add3A_142, %mul3A_143 : i32
        %dma_start3A_145 = arith.constant 1 : i32
        %dma_start3A_146 = arith.constant 0 : i32
        %dma_start3A_147 = arith.constant 0 : i32
        %dma_start3A_148 = tpu.memref_slice %arg6[%dma_start3A_145, %dma_start3A_146, %dma_start3A_147] : memref<2x56x1024xf32, #tpu.memory_space<vmem>> -> memref<1x56x1024xf32, #tpu.memory_space<vmem>>
        %dma_start3A_149 = tpu.memref_squeeze %dma_start3A_148 : memref<1x56x1024xf32, #tpu.memory_space<vmem>> -> memref<56x1024xf32, #tpu.memory_space<vmem>>
        %dma_start3A_150 = tpu.memref_slice %arg5[%mul3A_144] : memref<2048xi32, #tpu.memory_space<vmem>> -> memref<56xi32, #tpu.memory_space<vmem>>
        %dma_start3A_151 = arith.constant 0 : i32
        %dma_start3A_152 = arith.constant 0 : i32
        %dma_start3A_153 = tpu.memref_slice %arg2[%dma_start3A_151, %dma_start3A_152] : memref<1000x1024xf32, #tpu.memory_space<hbm>> -> memref<1000x1024xf32, #tpu.memory_space<hbm>>
        tpu.enqueue_indirect_dma source(%dma_start3A_153 : memref<1000x1024xf32, #tpu.memory_space<hbm>>) target(%dma_start3A_149 : memref<56x1024xf32, #tpu.memory_space<vmem>>) offsets(%dma_start3A_150 : memref<56xi32, #tpu.memory_space<vmem>>) semaphore(%arg8 : memref<!tpu.dma_semaphore, #tpu.memory_space<semaphore_mem>>)
      } else {
      }
      %mul3A_67 = arith.constant 64 : i32
      %mul3A_68 = arith.muli %add3A_62, %mul3A_67 : i32
      %dma_wait3A_69 = arith.constant 0 : i32
      %dma_wait3A_70 = arith.constant 0 : i32
      %dma_wait3A_71 = arith.constant 0 : i32
      %dma_wait3A_72 = tpu.memref_slice %arg6[%dma_wait3A_69, %dma_wait3A_70, %dma_wait3A_71] : memref<2x56x1024xf32, #tpu.memory_space<vmem>> -> memref<1x56x1024xf32, #tpu.memory_space<vmem>>
      %dma_wait3A_73 = tpu.memref_squeeze %dma_wait3A_72 : memref<1x56x1024xf32, #tpu.memory_space<vmem>> -> memref<56x1024xf32, #tpu.memory_space<vmem>>
      %dma_wait3A_74 = tpu.memref_slice %arg5[%mul3A_68] : memref<2048xi32, #tpu.memory_space<vmem>> -> memref<56xi32, #tpu.memory_space<vmem>>
      %dma_wait3A_75 = arith.constant 0 : i32
      %dma_wait3A_76 = arith.constant 0 : i32
      %dma_wait3A_77 = tpu.memref_slice %arg2[%dma_wait3A_75, %dma_wait3A_76] : memref<1000x1024xf32, #tpu.memory_space<hbm>> -> memref<1000x1024xf32, #tpu.memory_space<hbm>>
      tpu.wait_indirect_dma semaphore(%arg7 : memref<!tpu.dma_semaphore, #tpu.memory_space<semaphore_mem>>) src(%dma_wait3A_77 : memref<1000x1024xf32, #tpu.memory_space<hbm>>) dst(%dma_wait3A_73 : memref<56x1024xf32, #tpu.memory_space<vmem>>)
      %add3A_78 = arith.addi %mul3A_2, %add3A_62 : i32
      %dma_start3A_79 = arith.constant 0 : i32
      %dma_start3A_80 = arith.constant 0 : i32
      %dma_start3A_81 = arith.constant 0 : i32
      %dma_start3A_82 = tpu.memref_slice %arg6[%dma_start3A_79, %dma_start3A_80, %dma_start3A_81] : memref<2x56x1024xf32, #tpu.memory_space<vmem>> -> memref<1x56x1024xf32, #tpu.memory_space<vmem>>
      %dma_start3A_83 = tpu.memref_squeeze %dma_start3A_82 : memref<1x56x1024xf32, #tpu.memory_space<vmem>> -> memref<56x1024xf32, #tpu.memory_space<vmem>>
      %dma_start3A_84 = arith.constant 0 : i32
      %dma_start3A_85 = arith.constant 0 : i32
      %dma_start3A_86 = tpu.memref_slice %arg4[%add3A_78, %dma_start3A_84, %dma_start3A_85] : memref<1024x56x1024xf32, #tpu.memory_space<hbm>> -> memref<1x56x1024xf32, #tpu.memory_space<hbm>>
      %dma_start3A_87 = tpu.memref_squeeze %dma_start3A_86 : memref<1x56x1024xf32, #tpu.memory_space<hbm>> -> memref<56x1024xf32, #tpu.memory_space<hbm>>
      %dma_start3A_88 = arith.constant 0 : i32
      %dma_start3A_89 = arith.constant 0 : i32
      %dma_start3A_90 = tpu.memref_slice %arg4[%add3A_78, %dma_start3A_88, %dma_start3A_89] : memref<1024x56x1024xf32, #tpu.memory_space<hbm>> -> memref<1x56x1024xf32, #tpu.memory_space<hbm>>
      %dma_start3A_91 = tpu.memref_squeeze %dma_start3A_90 : memref<1x56x1024xf32, #tpu.memory_space<hbm>> -> memref<56x1024xf32, #tpu.memory_space<hbm>>
      %dma_start3A_92 = arith.constant 0 : i32
      %dma_start3A_93 = arith.constant 0 : i32
      %dma_start3A_94 = tpu.memref_slice %arg6[%dma_start3A_79, %dma_start3A_92, %dma_start3A_93] : memref<2x56x1024xf32, #tpu.memory_space<vmem>> -> memref<1x56x1024xf32, #tpu.memory_space<vmem>>
      %dma_start3A_95 = tpu.memref_squeeze %dma_start3A_94 : memref<1x56x1024xf32, #tpu.memory_space<vmem>> -> memref<56x1024xf32, #tpu.memory_space<vmem>>
      tpu.enqueue_dma source(%dma_start3A_95 : memref<56x1024xf32, #tpu.memory_space<vmem>>) target(%dma_start3A_91 : memref<56x1024xf32, #tpu.memory_space<hbm>>) target_semaphore(%arg9 : memref<!tpu.dma_semaphore, #tpu.memory_space<semaphore_mem>>)
      %mul3A_96 = arith.constant 2 : i32
      %mul3A_97 = arith.muli %scan3A_57, %mul3A_96 : i32
      %add3A_98 = arith.constant 1 : i32
      %add3A_99 = arith.addi %mul3A_97, %add3A_98 : i32
      %add3A_100 = arith.constant 1 : i32
      %add3A_101 = arith.addi %add3A_99, %add3A_100 : i32
      %lt3A_102 = arith.constant 32 : i32
      %lt3A_103 = arith.cmpi slt, %add3A_101, %lt3A_102 : i32
      %convert_element_type3A_104 = arith.extui %lt3A_103 : i1 to i32
      %cond3A_105 = arith.constant 0 : i32
      %cond3A_106 = arith.cmpi ne, %convert_element_type3A_104, %cond3A_105 : i32
      scf.if %cond3A_106 {
        %ge3A = arith.constant 1 : i32
        %ge3A_137 = arith.cmpi sge, %add3A_99, %ge3A : i32
        %convert_element_type3A_138 = arith.extui %ge3A_137 : i1 to i32
        %cond3A_139 = arith.constant 0 : i32
        %cond3A_140 = arith.cmpi ne, %convert_element_type3A_138, %cond3A_139 : i32
        scf.if %cond3A_140 {
          %sub3A = arith.constant 1 : i32
          %sub3A_154 = arith.subi %add3A_99, %sub3A : i32
          %add3A_155 = arith.addi %mul3A_2, %sub3A_154 : i32
          %dma_wait3A_156 = arith.constant 0 : i32
          %dma_wait3A_157 = arith.constant 0 : i32
          %dma_wait3A_158 = arith.constant 0 : i32
          %dma_wait3A_159 = tpu.memref_slice %arg6[%dma_wait3A_156, %dma_wait3A_157, %dma_wait3A_158] : memref<2x56x1024xf32, #tpu.memory_space<vmem>> -> memref<1x56x1024xf32, #tpu.memory_space<vmem>>
          %dma_wait3A_160 = tpu.memref_squeeze %dma_wait3A_159 : memref<1x56x1024xf32, #tpu.memory_space<vmem>> -> memref<56x1024xf32, #tpu.memory_space<vmem>>
          %dma_wait3A_161 = arith.constant 0 : i32
          %dma_wait3A_162 = arith.constant 0 : i32
          %dma_wait3A_163 = tpu.memref_slice %arg4[%add3A_155, %dma_wait3A_161, %dma_wait3A_162] : memref<1024x56x1024xf32, #tpu.memory_space<hbm>> -> memref<1x56x1024xf32, #tpu.memory_space<hbm>>
          %dma_wait3A_164 = tpu.memref_squeeze %dma_wait3A_163 : memref<1x56x1024xf32, #tpu.memory_space<hbm>> -> memref<56x1024xf32, #tpu.memory_space<hbm>>
          %dma_wait3A_165 = arith.constant 0 : i32
          %dma_wait3A_166 = arith.constant 0 : i32
          %dma_wait3A_167 = tpu.memref_slice %arg4[%add3A_155, %dma_wait3A_165, %dma_wait3A_166] : memref<1024x56x1024xf32, #tpu.memory_space<hbm>> -> memref<1x56x1024xf32, #tpu.memory_space<hbm>>
          %dma_wait3A_168 = tpu.memref_squeeze %dma_wait3A_167 : memref<1x56x1024xf32, #tpu.memory_space<hbm>> -> memref<56x1024xf32, #tpu.memory_space<hbm>>
          %dma_wait3A_169 = arith.constant 0 : i32
          %dma_wait3A_170 = arith.constant 0 : i32
          %dma_wait3A_171 = tpu.memref_slice %arg6[%dma_wait3A_156, %dma_wait3A_169, %dma_wait3A_170] : memref<2x56x1024xf32, #tpu.memory_space<vmem>> -> memref<1x56x1024xf32, #tpu.memory_space<vmem>>
          %dma_wait3A_172 = tpu.memref_squeeze %dma_wait3A_171 : memref<1x56x1024xf32, #tpu.memory_space<vmem>> -> memref<56x1024xf32, #tpu.memory_space<vmem>>
          tpu.wait_dma2 semaphore(%arg9 : memref<!tpu.dma_semaphore, #tpu.memory_space<semaphore_mem>>) src(%dma_wait3A_172 : memref<56x1024xf32, #tpu.memory_space<vmem>>) dst(%dma_wait3A_168 : memref<56x1024xf32, #tpu.memory_space<hbm>>)
        } else {
        }
        %add3A_141 = arith.constant 1 : i32
        %add3A_142 = arith.addi %add3A_99, %add3A_141 : i32
        %mul3A_143 = arith.constant 64 : i32
        %mul3A_144 = arith.muli %add3A_142, %mul3A_143 : i32
        %dma_start3A_145 = arith.constant 0 : i32
        %dma_start3A_146 = arith.constant 0 : i32
        %dma_start3A_147 = arith.constant 0 : i32
        %dma_start3A_148 = tpu.memref_slice %arg6[%dma_start3A_145, %dma_start3A_146, %dma_start3A_147] : memref<2x56x1024xf32, #tpu.memory_space<vmem>> -> memref<1x56x1024xf32, #tpu.memory_space<vmem>>
        %dma_start3A_149 = tpu.memref_squeeze %dma_start3A_148 : memref<1x56x1024xf32, #tpu.memory_space<vmem>> -> memref<56x1024xf32, #tpu.memory_space<vmem>>
        %dma_start3A_150 = tpu.memref_slice %arg5[%mul3A_144] : memref<2048xi32, #tpu.memory_space<vmem>> -> memref<56xi32, #tpu.memory_space<vmem>>
        %dma_start3A_151 = arith.constant 0 : i32
        %dma_start3A_152 = arith.constant 0 : i32
        %dma_start3A_153 = tpu.memref_slice %arg2[%dma_start3A_151, %dma_start3A_152] : memref<1000x1024xf32, #tpu.memory_space<hbm>> -> memref<1000x1024xf32, #tpu.memory_space<hbm>>
        tpu.enqueue_indirect_dma source(%dma_start3A_153 : memref<1000x1024xf32, #tpu.memory_space<hbm>>) target(%dma_start3A_149 : memref<56x1024xf32, #tpu.memory_space<vmem>>) offsets(%dma_start3A_150 : memref<56xi32, #tpu.memory_space<vmem>>) semaphore(%arg7 : memref<!tpu.dma_semaphore, #tpu.memory_space<semaphore_mem>>)
      } else {
      }
      %mul3A_107 = arith.constant 64 : i32
      %mul3A_108 = arith.muli %add3A_99, %mul3A_107 : i32
      %dma_wait3A_109 = arith.constant 1 : i32
      %dma_wait3A_110 = arith.constant 0 : i32
      %dma_wait3A_111 = arith.constant 0 : i32
      %dma_wait3A_112 = tpu.memref_slice %arg6[%dma_wait3A_109, %dma_wait3A_110, %dma_wait3A_111] : memref<2x56x1024xf32, #tpu.memory_space<vmem>> -> memref<1x56x1024xf32, #tpu.memory_space<vmem>>
      %dma_wait3A_113 = tpu.memref_squeeze %dma_wait3A_112 : memref<1x56x1024xf32, #tpu.memory_space<vmem>> -> memref<56x1024xf32, #tpu.memory_space<vmem>>
      %dma_wait3A_114 = tpu.memref_slice %arg5[%mul3A_108] : memref<2048xi32, #tpu.memory_space<vmem>> -> memref<56xi32, #tpu.memory_space<vmem>>
      %dma_wait3A_115 = arith.constant 0 : i32
      %dma_wait3A_116 = arith.constant 0 : i32
      %dma_wait3A_117 = tpu.memref_slice %arg2[%dma_wait3A_115, %dma_wait3A_116] : memref<1000x1024xf32, #tpu.memory_space<hbm>> -> memref<1000x1024xf32, #tpu.memory_space<hbm>>
      tpu.wait_indirect_dma semaphore(%arg8 : memref<!tpu.dma_semaphore, #tpu.memory_space<semaphore_mem>>) src(%dma_wait3A_117 : memref<1000x1024xf32, #tpu.memory_space<hbm>>) dst(%dma_wait3A_113 : memref<56x1024xf32, #tpu.memory_space<vmem>>)
      %add3A_118 = arith.addi %mul3A_2, %add3A_99 : i32
      %dma_start3A_119 = arith.constant 1 : i32
      %dma_start3A_120 = arith.constant 0 : i32
      %dma_start3A_121 = arith.constant 0 : i32
      %dma_start3A_122 = tpu.memref_slice %arg6[%dma_start3A_119, %dma_start3A_120, %dma_start3A_121] : memref<2x56x1024xf32, #tpu.memory_space<vmem>> -> memref<1x56x1024xf32, #tpu.memory_space<vmem>>
      %dma_start3A_123 = tpu.memref_squeeze %dma_start3A_122 : memref<1x56x1024xf32, #tpu.memory_space<vmem>> -> memref<56x1024xf32, #tpu.memory_space<vmem>>
      %dma_start3A_124 = arith.constant 0 : i32
      %dma_start3A_125 = arith.constant 0 : i32
      %dma_start3A_126 = tpu.memref_slice %arg4[%add3A_118, %dma_start3A_124, %dma_start3A_125] : memref<1024x56x1024xf32, #tpu.memory_space<hbm>> -> memref<1x56x1024xf32, #tpu.memory_space<hbm>>
      %dma_start3A_127 = tpu.memref_squeeze %dma_start3A_126 : memref<1x56x1024xf32, #tpu.memory_space<hbm>> -> memref<56x1024xf32, #tpu.memory_space<hbm>>
      %dma_start3A_128 = arith.constant 0 : i32
      %dma_start3A_129 = arith.constant 0 : i32
      %dma_start3A_130 = tpu.memref_slice %arg4[%add3A_118, %dma_start3A_128, %dma_start3A_129] : memref<1024x56x1024xf32, #tpu.memory_space<hbm>> -> memref<1x56x1024xf32, #tpu.memory_space<hbm>>
      %dma_start3A_131 = tpu.memref_squeeze %dma_start3A_130 : memref<1x56x1024xf32, #tpu.memory_space<hbm>> -> memref<56x1024xf32, #tpu.memory_space<hbm>>
      %dma_start3A_132 = arith.constant 0 : i32
      %dma_start3A_133 = arith.constant 0 : i32
      %dma_start3A_134 = tpu.memref_slice %arg6[%dma_start3A_119, %dma_start3A_132, %dma_start3A_133] : memref<2x56x1024xf32, #tpu.memory_space<vmem>> -> memref<1x56x1024xf32, #tpu.memory_space<vmem>>
      %dma_start3A_135 = tpu.memref_squeeze %dma_start3A_134 : memref<1x56x1024xf32, #tpu.memory_space<vmem>> -> memref<56x1024xf32, #tpu.memory_space<vmem>>
      tpu.enqueue_dma source(%dma_start3A_135 : memref<56x1024xf32, #tpu.memory_space<vmem>>) target(%dma_start3A_131 : memref<56x1024xf32, #tpu.memory_space<hbm>>) target_semaphore(%arg10 : memref<!tpu.dma_semaphore, #tpu.memory_space<semaphore_mem>>)
      %scan3A_136 = arith.constant 0 : i32
      scf.yield %scan3A_136 : i32
    }
    %scan3A_19 = arith.constant 16 : i32
    %add3A_20 = arith.constant 30 : i32
    %add3A_21 = arith.addi %mul3A_2, %add3A_20 : i32
    %dma_wait3A = arith.constant 0 : i32
    %dma_wait3A_22 = arith.constant 0 : i32
    %dma_wait3A_23 = arith.constant 0 : i32
    %dma_wait3A_24 = tpu.memref_slice %arg6[%dma_wait3A, %dma_wait3A_22, %dma_wait3A_23] : memref<2x56x1024xf32, #tpu.memory_space<vmem>> -> memref<1x56x1024xf32, #tpu.memory_space<vmem>>
    %dma_wait3A_25 = tpu.memref_squeeze %dma_wait3A_24 : memref<1x56x1024xf32, #tpu.memory_space<vmem>> -> memref<56x1024xf32, #tpu.memory_space<vmem>>
    %dma_wait3A_26 = arith.constant 0 : i32
    %dma_wait3A_27 = arith.constant 0 : i32
    %dma_wait3A_28 = tpu.memref_slice %arg4[%add3A_21, %dma_wait3A_26, %dma_wait3A_27] : memref<1024x56x1024xf32, #tpu.memory_space<hbm>> -> memref<1x56x1024xf32, #tpu.memory_space<hbm>>
    %dma_wait3A_29 = tpu.memref_squeeze %dma_wait3A_28 : memref<1x56x1024xf32, #tpu.memory_space<hbm>> -> memref<56x1024xf32, #tpu.memory_space<hbm>>
    %dma_wait3A_30 = arith.constant 0 : i32
    %dma_wait3A_31 = arith.constant 0 : i32
    %dma_wait3A_32 = tpu.memref_slice %arg4[%add3A_21, %dma_wait3A_30, %dma_wait3A_31] : memref<1024x56x1024xf32, #tpu.memory_space<hbm>> -> memref<1x56x1024xf32, #tpu.memory_space<hbm>>
    %dma_wait3A_33 = tpu.memref_squeeze %dma_wait3A_32 : memref<1x56x1024xf32, #tpu.memory_space<hbm>> -> memref<56x1024xf32, #tpu.memory_space<hbm>>
    %dma_wait3A_34 = arith.constant 0 : i32
    %dma_wait3A_35 = arith.constant 0 : i32
    %dma_wait3A_36 = tpu.memref_slice %arg6[%dma_wait3A, %dma_wait3A_34, %dma_wait3A_35] : memref<2x56x1024xf32, #tpu.memory_space<vmem>> -> memref<1x56x1024xf32, #tpu.memory_space<vmem>>
    %dma_wait3A_37 = tpu.memref_squeeze %dma_wait3A_36 : memref<1x56x1024xf32, #tpu.memory_space<vmem>> -> memref<56x1024xf32, #tpu.memory_space<vmem>>
    tpu.wait_dma2 semaphore(%arg9 : memref<!tpu.dma_semaphore, #tpu.memory_space<semaphore_mem>>) src(%dma_wait3A_37 : memref<56x1024xf32, #tpu.memory_space<vmem>>) dst(%dma_wait3A_33 : memref<56x1024xf32, #tpu.memory_space<hbm>>)
    %add3A_38 = arith.constant 31 : i32
    %add3A_39 = arith.addi %mul3A_2, %add3A_38 : i32
    %dma_wait3A_40 = arith.constant 1 : i32
    %dma_wait3A_41 = arith.constant 0 : i32
    %dma_wait3A_42 = arith.constant 0 : i32
    %dma_wait3A_43 = tpu.memref_slice %arg6[%dma_wait3A_40, %dma_wait3A_41, %dma_wait3A_42] : memref<2x56x1024xf32, #tpu.memory_space<vmem>> -> memref<1x56x1024xf32, #tpu.memory_space<vmem>>
    %dma_wait3A_44 = tpu.memref_squeeze %dma_wait3A_43 : memref<1x56x1024xf32, #tpu.memory_space<vmem>> -> memref<56x1024xf32, #tpu.memory_space<vmem>>
    %dma_wait3A_45 = arith.constant 0 : i32
    %dma_wait3A_46 = arith.constant 0 : i32
    %dma_wait3A_47 = tpu.memref_slice %arg4[%add3A_39, %dma_wait3A_45, %dma_wait3A_46] : memref<1024x56x1024xf32, #tpu.memory_space<hbm>> -> memref<1x56x1024xf32, #tpu.memory_space<hbm>>
    %dma_wait3A_48 = tpu.memref_squeeze %dma_wait3A_47 : memref<1x56x1024xf32, #tpu.memory_space<hbm>> -> memref<56x1024xf32, #tpu.memory_space<hbm>>
    %dma_wait3A_49 = arith.constant 0 : i32
    %dma_wait3A_50 = arith.constant 0 : i32
    %dma_wait3A_51 = tpu.memref_slice %arg4[%add3A_39, %dma_wait3A_49, %dma_wait3A_50] : memref<1024x56x1024xf32, #tpu.memory_space<hbm>> -> memref<1x56x1024xf32, #tpu.memory_space<hbm>>
    %dma_wait3A_52 = tpu.memref_squeeze %dma_wait3A_51 : memref<1x56x1024xf32, #tpu.memory_space<hbm>> -> memref<56x1024xf32, #tpu.memory_space<hbm>>
    %dma_wait3A_53 = arith.constant 0 : i32
    %dma_wait3A_54 = arith.constant 0 : i32
    %dma_wait3A_55 = tpu.memref_slice %arg6[%dma_wait3A_40, %dma_wait3A_53, %dma_wait3A_54] : memref<2x56x1024xf32, #tpu.memory_space<vmem>> -> memref<1x56x1024xf32, #tpu.memory_space<vmem>>
    %dma_wait3A_56 = tpu.memref_squeeze %dma_wait3A_55 : memref<1x56x1024xf32, #tpu.memory_space<vmem>> -> memref<56x1024xf32, #tpu.memory_space<vmem>>
    tpu.wait_dma2 semaphore(%arg10 : memref<!tpu.dma_semaphore, #tpu.memory_space<semaphore_mem>>) src(%dma_wait3A_56 : memref<56x1024xf32, #tpu.memory_space<vmem>>) dst(%dma_wait3A_52 : memref<56x1024xf32, #tpu.memory_space<hbm>>)
    return
  }
}

module attributes {stable_mosaic.version = 14 : i64} {
  func.func @_lse_body(%arg0: memref<1000x1000xf32, #tpu.memory_space<vmem>>, %arg1: memref<1000x1xf32, #tpu.memory_space<vmem>>) attributes {dimension_semantics = [], scalar_prefetch = 0 : i64, scratch_operands = 0 : i64, tpu.core_type = #tpu.core_type<tc>} {
    %get3A = arith.constant 0 : index
    %get3A_0 = arith.constant 0 : index
    %get3A_1 = vector.load %arg0[%get3A, %get3A_0] : memref<1000x1000xf32, #tpu.memory_space<vmem>>, vector<1000x1000xf32>
    %reduce_max3A = arith.constant dense<0xFF800000> : vector<1000xf32>
    %reduce_max3A_2 = vector.multi_reduction <maximumf>, %get3A_1, %reduce_max3A [1] : vector<1000x1000xf32> to vector<1000xf32>
    %broadcast_in_dim3A = vector.shape_cast %reduce_max3A_2 : vector<1000xf32> to vector<1000x1xf32>
    %sub3A = vector.broadcast %broadcast_in_dim3A : vector<1000x1xf32> to vector<1000x1000xf32>
    %sub3A_3 = arith.subf %get3A_1, %sub3A : vector<1000x1000xf32>
    %exp3A = math.exp %sub3A_3 : vector<1000x1000xf32>
    %reduce_sum3A = arith.constant dense<0.000000e+00> : vector<1000xf32>
    %reduce_sum3A_4 = vector.multi_reduction <add>, %exp3A, %reduce_sum3A [1] : vector<1000x1000xf32> to vector<1000xf32>
    %broadcast_in_dim3A_5 = vector.shape_cast %reduce_sum3A_4 : vector<1000xf32> to vector<1000x1xf32>
    %log3A = math.log %broadcast_in_dim3A_5 : vector<1000x1xf32>
    %add3A = arith.addf %broadcast_in_dim3A, %log3A : vector<1000x1xf32>
    %swap3A = arith.constant 0 : index
    %swap3A_6 = arith.constant 0 : index
    %swap3A_7 = vector.load %arg1[%swap3A, %swap3A_6] : memref<1000x1xf32, #tpu.memory_space<vmem>>, vector<1000x1xf32>
    tpu.vector_store %arg1[%swap3A, %swap3A_6], %add3A {strides = array<i32>} : memref<1000x1xf32, #tpu.memory_space<vmem>>, vector<1000x1xf32>,
    return
  }
}

module attributes {stable_mosaic.version = 14 : i64} {
  func.func @_reduce_body(%arg0: memref<32x16xf32, #tpu.memory_space<vmem>>, %arg1: memref<1x1xf32, #tpu.memory_space<vmem>>) attributes {dimension_semantics = [], scalar_prefetch = 0 : i64, scratch_operands = 0 : i64, tpu.core_type = #tpu.core_type<tc>} {
    %get3A = arith.constant 0 : index
    %get3A_0 = arith.constant 0 : index
    %get3A_1 = vector.load %arg0[%get3A, %get3A_0] : memref<32x16xf32, #tpu.memory_space<vmem>>, vector<32x16xf32>
    %reduce_sum3A = vector.shape_cast %get3A_1 : vector<32x16xf32> to vector<1x32x16xf32>
    %reduce_sum3A_2 = arith.constant dense<0.000000e+00> : vector<1xf32>
    %reduce_sum3A_3 = vector.multi_reduction <add>, %reduce_sum3A, %reduce_sum3A_2 [1, 2] : vector<1x32x16xf32> to vector<1xf32>
    %reduce_sum3A_4 = vector.shape_cast %reduce_sum3A_3 : vector<1xf32> to vector<1x1x1xf32>
    %reduce_sum3A_5 = vector.extract %reduce_sum3A_4[0, 0, 0] : f32 from vector<1x1x1xf32>
    %broadcast_in_dim3A = vector.broadcast %reduce_sum3A_5 : f32 to vector<1x1xf32>
    %mul3A = arith.constant 1.95312496E-5 : f32
    %mul3A_6 = vector.broadcast %mul3A : f32 to vector<1x1xf32>
    %mul3A_7 = arith.mulf %broadcast_in_dim3A, %mul3A_6 : vector<1x1xf32>
    %swap3A = arith.constant 0 : index
    %swap3A_8 = arith.constant 0 : index
    %swap3A_9 = vector.load %arg1[%swap3A, %swap3A_8] : memref<1x1xf32, #tpu.memory_space<vmem>>, vector<1x1xf32>
    tpu.vector_store %arg1[%swap3A, %swap3A_8], %mul3A_7 {strides = array<i32>} : memref<1x1xf32, #tpu.memory_space<vmem>>, vector<1x1xf32>,
    return
  }
}

</mosaic_0001>

<sc_bundles>
// kernel: kernel.6.cloned.1.call-start
scs
__scs_entry_jumppad:
0x0: {  	(pc) =	sbr.rel $0x88, $3  }
0x1: {  	(tag) =	ssettag $0x0;
	lr =	simm.s32 $0x1  }
0x2: {  	[smem:$0x3F9E] =	sst lr;
	_ =	strace $0xD0000000  }
0x3: {  	_ = 	snop  }
0x4: {  	_ = 	snop  }
0x5: {  	_ = 	snop  }
0x6: {  	_ = 	snop  }
0x7: {  	_ = 	snop  }
__scs_overlays_trampoline_lowered:
0x8: {  	[smem:$0x3FAD] =	sst s0  }
0x9: {  	[smem:$0x3FAE] =	sst s1  }
0xa: {  	[smem:$0x3FAF] =	sst s2  }
0xb: {  	[smem:$0x3FB0] =	sst s3  }
0xc: {  	[smem:$0x3FB1] =	sst s4  }
0xd: {  	[smem:$0x3FB2] =	sst s5  }
0xe: {  	[smem:$0x3FB3] =	sst s6  }
0xf: {  	[smem:$0x3FB4] =	sst s7  }
0x10: {  	[smem:$0x3FB5] =	sst s8  }
0x11: {  	[smem:$0x3FB6] =	sst s9;
	s0 =	simm.s32 @!p0 $0x0  }
0x12: {  	s1 =	sld [smem:$0x3F9C];
	s0 =	simm.s32 @p0 $0x1  }
0x13: {  	[smem:$0x3FB7] =	sst s0;
	s0 =	simm.s32 @!p1 $0x0  }
0x14: {  	s2 =	sld [smem:$0x3F9B];
	s0 =	simm.s32 @p1 $0x1  }
0x15: {  	[smem:$0x3FB8] =	sst s0;
	s0 =	simm.s32 @!p2 $0x0  }
0x16: {  	s3 =	sld [smem:$0x3FDB];
	s0 =	simm.s32 @p2 $0x1  }
0x17: {  	s4 =	simm.s32 $0x1BF5;
	[smem:$0x3FBA] =	sst s0  }
0x18: {  	s0 =	sld [smem:$0x3F9D];
	_ =	swait.ge [sflag:s4], $0x0  }
0x19: {  	s7 =	sld [smem:$0x3F9E]  }
0x1a: {  	s8 =	sadd.s32 $0xFFFFE003, lr  }
0x1b: {  	s9 =	sadd.s32 $0xFFFFFEF7, lr;
	s5 =	simm.s32 $0xFFFFFFFF;
	p2 =	slt.u32 s8, $0xFFFFF086  }
0x1c: {  	p1 =	slt.u32 s9, $0xF7A;
	s5 =	simm.s32 @!p2 $0x0  }
0x1d: {  	s5 =	simm.s32 @p1 $0x1;
	p0 =	seq.s32 s7, s2  }
0x1e: {  	s7 =	smul.u32 @!p0 $0xF7A, s2;
	p2 =	seq.s32 @!p0 s5, $0x0  }
0x1f: {  	s9 =	smul.u32 $0xF7A, s1;
	s8 =	simm.s32 @!p0 $0x1BF5;
	p2 =	por !p2, p0  }
0x20: {  	[sflag:s8] =	ssyncset.s32 @!p0 $0xFFFFF086;
	s6 =	sadd.s32 @!p0 s3, s7;
	s7 =	simm.s32 @!p0 $0x108  }
0x21: {  	s3 =	sadd.s32 s3, s9;
	s6 =	sadd.s32 @!p0 $0x88, s6;
	s7 =	simm.s32 @p2 $0x1082  }
0x22: {  	[simem:s7], [sflag:s8] =	dma.local @!p0 [hbm:s6], $0xF7A  }
0x23: {  	s9 =	sor.u32 $0xD0000000, s2;
	s6 =	simm.s32 $0x108;
	_ =	swait.ge @!p0 [sflag:s8], $0x0  }
0x24: {  	s3 =	sadd.s32 $0x88, s3;
	s6 =	simm.s32 @!p1 $0x1082;
	[sflag:s4] =	ssyncset.s32 $0xFFFFF086  }
0x25: {  	[simem:s6], [sflag:s4] =	dma.local [hbm:s3], $0xF7A  }
0x26: {  	[smem:$0x3F9E] =	sst s1;
	(tag) =	ssettag s2;
	_ =	strace s9  }
0x27: {  	s1 =	sld [smem:$0x3FAE]  }
0x28: {  	s2 =	sld [smem:$0x3FAF]  }
0x29: {  	s4 =	sld [smem:$0x3FB1]  }
0x2a: {  	p0 =	seq.s32 s5, $0x0;
	s5 =	sld [smem:$0x3FB2]  }
0x2b: {  	s6 =	sld [smem:$0x3FB3]  }
0x2c: {  	s7 =	sld [smem:$0x3FB4]  }
0x2d: {  	s3 =	simm.s32 $0x108;
	s8 =	sld [smem:$0x3FB5]  }
0x2e: {  	s3 =	simm.s32 @!p0 $0x1082;
	s9 =	sld [smem:$0x3FB6]  }
0x2f: {  	lr =	sadd.s32 s0, s3;
	s0 =	sld [smem:$0x3FAD]  }
0x30: {  	s3 =	sld [smem:$0x3FB0]  }
0x31: {  	[smem:$0x3FB9] =	sst s10  }
0x32: {  	s10 =	sld [smem:$0x3FB7];
	_ =	sdelay $0x3  }
0x33: {  	p0 =	seq.s32 s10, $0x1;
	s10 =	sld [smem:$0x3FB9];
	_ =	sdelay $0x3  }
0x34: {  	[smem:$0x3FB9] =	sst s10  }
0x35: {  	s10 =	sld [smem:$0x3FB8];
	_ =	sdelay $0x3  }
0x36: {  	p1 =	seq.s32 s10, $0x1;
	s10 =	sld [smem:$0x3FB9];
	_ =	sdelay $0x3  }
0x37: {  	[smem:$0x3FB9] =	sst s10  }
0x38: {  	s10 =	sld [smem:$0x3FBA]  }
0x39: {  	_ = 	snop;
	(pc) =	sbr.ind lr, $3  }
0x3a: {  	_ = 	snop  }
0x3b: {  	_ = 	snop  }
0x3c: {  	p2 =	seq.s32 s10, $0x1;
	s10 =	sld [smem:$0x3FB9]  }
0x3d: {  	_ =	shalt  }
0x3e: {  	_ =	shalt  }
0x3f: {  	_ =	shalt  }
0x40: {  	_ =	shalt  }
0x41: {  	_ =	shalt  }
0x42: {  	_ =	shalt  }
0x43: {  	_ =	shalt  }
0x44: {  	_ =	shalt  }
0x45: {  	_ =	shalt  }
0x46: {  	_ =	shalt  }
0x47: {  	_ =	shalt  }
0x48: {  	_ =	shalt  }
0x49: {  	_ =	shalt  }
0x4a: {  	_ =	shalt  }
0x4b: {  	_ =	shalt  }
0x4c: {  	_ =	shalt  }
0x4d: {  	_ =	shalt  }
0x4e: {  	_ =	shalt  }
0x4f: {  	_ =	shalt  }
0x50: {  	_ =	shalt  }
0x51: {  	_ =	shalt  }
0x52: {  	_ =	shalt  }
0x53: {  	_ =	shalt  }
0x54: {  	_ =	shalt  }
0x55: {  	_ =	shalt  }
0x56: {  	_ =	shalt  }
0x57: {  	_ =	shalt  }
0x58: {  	_ =	shalt  }
0x59: {  	_ =	shalt  }
0x5a: {  	_ =	shalt  }
0x5b: {  	_ =	shalt  }
0x5c: {  	_ =	shalt  }
0x5d: {  	_ =	shalt  }
0x5e: {  	_ =	shalt  }
0x5f: {  	_ =	shalt  }
0x60: {  	_ =	shalt  }
0x61: {  	_ =	shalt  }
0x62: {  	_ =	shalt  }
0x63: {  	_ =	shalt  }
0x64: {  	_ =	shalt  }
0x65: {  	_ =	shalt  }
0x66: {  	_ =	shalt  }
0x67: {  	_ =	shalt  }
0x68: {  	_ =	shalt  }
0x69: {  	_ =	shalt  }
0x6a: {  	_ =	shalt  }
0x6b: {  	_ =	shalt  }
0x6c: {  	_ =	shalt  }
0x6d: {  	_ =	shalt  }
0x6e: {  	_ =	shalt  }
0x6f: {  	_ =	shalt  }
0x70: {  	_ =	shalt  }
0x71: {  	_ =	shalt  }
0x72: {  	_ =	shalt  }
0x73: {  	_ =	shalt  }
0x74: {  	_ =	shalt  }
0x75: {  	_ =	shalt  }
0x76: {  	_ =	shalt  }
0x77: {  	_ =	shalt  }
0x78: {  	_ =	shalt  }
0x79: {  	_ =	shalt  }
0x7a: {  	_ =	shalt  }
0x7b: {  	_ =	shalt  }
0x7c: {  	_ =	shalt  }
0x7d: {  	_ =	shalt  }
0x7e: {  	_ =	shalt  }
0x7f: {  	_ =	shalt  }
0x80: {  	_ =	shalt  }
0x81: {  	_ =	shalt  }
0x82: {  	_ =	shalt  }
0x83: {  	_ =	shalt  }
0x84: {  	_ =	shalt  }
0x85: {  	_ =	shalt  }
0x86: {  	_ =	shalt  }
0x87: {  	_ =	shalt  }
.Lfunc_end0:
.L_simem_size_0:
called_computation.1_lowered:
.L_overlay_start_0:
0x88: {  	s2 =	sld [smem:$0x3FD9]  }
0x89: {  	s3 =	sld [smem:$0x3FFE];
	_ =	sdelay $0x1  }
0x8a: {  	s1 =	srdreg.scid  }
0x8b: {  	s0 =	sand.u32 $0x1, s1  }
0x8c: {  	s16 =	sshll.u32 s0, $0xA;
	s2 =	sadd.s32 s3, s2  }
0x8d: {  	s2 =	sadd.s32 s2, s16  }
0x8e: {  	[smem:$0x3FC5] =	sst s2  }
0x8f: {  	_ = 	snop  }
0x90: {  	(tm) =	ssettm $0x1  }
0x91: {  	s17 =	sld [smem:$0x3FFB];
	_ =	sdelay $0x3  }
0x92: {  	_ =	strace s17  }
0x93: {  	s2 =	sld [smem:$0x3FFC];
	_ =	sdelay $0x3  }
0x94: {  	_ =	strace s2  }
0x95: {  	s2 =	sld [smem:$0x3FFD];
	_ =	sdelay $0x3  }
0x96: {  	_ =	strace s2  }
0x97: {  	_ =	strace $0x8FFFFFFF  }
0x98: {  	s18 =	sld [smem:$0x3FDB];
	_ =	sdelay $0x1  }
0x99: {  	s19 =	simm.s32 $_scs_section_size  }
0x9a: {  	s4 =	simm.s32 $_size__tile_overlayer_lowered;
	s5 =	simm.s32 $_tile_overlayer_lowered  }
0x9b: {  	s22 =	simm.s32 $0x1BFF;
	s21 =	sshll.u32 s5, $0x1;
	s2 =	sadd.s32 s19, s18  }
0x9c: {  	s6 =	simm.s32 $0x0;
	s20 =	sshll.u32 s4, $0x1;
	s4 =	sadd.s32 s21, s2  }
0x9d: {  	[timem:s6], [sflag:s22] =	dma.local [hbm:s4], s20  }
0x9e: {  	_ =	swait.ge [sflag:s22], s20  }
0x9f: {  	s3 =	ssub.s32 $0x0, s20;
	[sflag:s22] =	ssyncset.done $0x0  }
0xa0: {  	[sflag:s22] =	ssyncadd.s32 s3;
	_ =	sdelay $0x1  }
0xa1: {  	s23 =	simm.s32 $0x1B8B  }
0xa2: {  	_ =	swait.ge [sflag:s23], $0x1  }
0xa3: {  	[sflag:s23] =	ssyncset.done $0x0  }
0xa4: {  	s25 =	simm.s32 $0x1B8E;
	s24 =	sld [smem:$0x3FFE];
	[sflag:s23] =	ssyncadd.s32 $0xFFFFFFFF  }
0xa5: {  	s26 =	simm.s32 $execute0_lowered;
	[smem:$0x3FD2] =	sst s25  }
0xa6: {  	s4 =	sshll.u32 s26, $0x1;
	_ =	strace $0x80000046;
	[dreg:$0x1] =	wrdreg $0xFFFFFFFF  }
0xa7: {  	s28 =	simm.s32 $_size_execute0_lowered;
	s2 =	sadd.s32 s2, s4;
	[dreg:$0x0] =	wrdreg $0x0  }
0xa8: {  	s4 =	sshll.u32 s28, $0x1;
	[dreg:$0x2] =	wrdreg s2  }
0xa9: {  	[dreg:$0x3] =	wrdreg s4  }
0xaa: {  	[dreg:$0x4] =	wrdreg $0xC0  }
0xab: {  	_ =	task [dreg:s6], $0x5FFFF  }
0xac: {  	[dreg:$0x1] =	wrdreg $0xFFFFFFFF  }
0xad: {  	[dreg:$0x0] =	wrdreg $0x60  }
0xae: {  	[dreg:$0x2] =	wrdreg s24  }
0xaf: {  	[dreg:$0x3] =	wrdreg $0xA  }
0xb0: {  	_ =	task.clear_ibuf [dreg:s6], $0x4FFFF;
	_ =	strace $0x90000046  }
0xb1: {  	s29 =	simm.s32 $0xA;
	_ =	strace $0x80000048  }
0xb2: {  	_ =	swait.ge [sflag:s29], $0x1  }
0xb3: {  	[sflag:s29] =	ssyncadd.s32 $0xFFFFFFFF  }
0xb4: {  	_ =	strace $0x90000048  }
0xb5: {  	_ =	sfence  }
0xb6: {  	s30 =	sld [smem:$0x0];
	_ =	sdelay $0x2  }
0xb7: {  	s31 =	sshll.u32 s1, $0xD;
	s1 =	sshrl.u32 s1, $0x2  }
0xb8: {  	s3 =	sand.u32 $0x4000, s31;
	s1 =	sadd.s32 s1, s30  }
0xb9: {  	s0 =	sor.u32 s3, s0;
	s1 =	sshll.u32 s1, $0x11  }
0xba: {  	s0 =	sor.u32 s1, s0  }
0xbb: {  	s0 =	sadd.s32 $0x8F2B, s0  }
0xbc: {  	[sflag:s0] =	ssyncadd.remote.s32 $0x1  }
0xbd: {  	_ =	sfence.sel $0xFFFF  }
0xbe: {  	[dreg:$0x0] =	wrdreg $0xFFFFFFFF;
	(pc) =	sbr.abs _section_cstart, $3  }
0xbf: {  	[dreg:$0x1] =	wrdreg $0xFFFFFFFF  }
0xc0: {  	_ =	task.clear_ibuf [dreg:s6], $0x2FFFF;
	_ =	strace $0x9FFFFFFF  }
0xc1: {  	(tm) =	ssettm $0x7FFFFFFF  }
tec
execute0_lowered:
.L_overlay_start_1:
0x0: {  	(tag) =	ssettag $0x1  }
0x1: {  	s0 =	rddreg [dreg:$0x0];
	s2 =	simm.s32 $0x0;
	s1 =	srdreg.scid  }
0x2: {  	s5 =	stileid.u32;
	s11 =	simm.s32 $0x800;
	s15 =	simm.s32 $0xE800  }
0x3: {  	s28 =	simm.s32 $0x14800;
	s29 =	simm.s32 $0x15000;
	s30 =	simm.s32 $0x15800  }
0x4: {  	s31 =	simm.s32 $0x16000;
	s10 =	simm.s32 $0x18800;
	s12 =	simm.s32 $0x19000  }
0x5: {  	s13 =	simm.s32 $0x19800;
	s14 =	simm.s32 $0x1A000;
	s16 =	simm.s32 $0x1A800  }
0x6: {  	s17 =	simm.s32 $0x1B000;
	s18 =	simm.s32 $0x1B800;
	s19 =	simm.s32 $0x1C000  }
0x7: {  	s20 =	simm.s32 $0x1;
	s21 =	simm.s32 $0x2;
	s22 =	simm.s32 $0x3  }
0x8: {  	[smem:$0x7FF] =	sst s2;
	s1 =	sand.u32 $0x1, s1;
	s3 =	sshll.u32 s5, $0x9  }
0x9: {  	s5 =	smul.u32 $0x70000, s5;
	_ =	strace $0x80000047;
	s4 =	sshll.u32 s1, $0x8  }
0xa: {  	s6 =	ssub.s32 $0x2, s1;
	s1 =	smul.u32 $0x38000, s1;
	s4 =	sor.u32 s4, s3  }
0xb: {  	s3 =	sadd.s32 $0x3400, s0;
	s7 =	sshrl.u32 s6, $0x1;
	s8 =	sadd.s32 s5, s0  }
0xc: {  	s5 =	sadd.s32 $0x3500, s0;
	s4 =	sadd.s32 s4, s0;
	s9 =	ssub.s32 s6, s7  }
.Ltmp0:
0xd: {  	s6 =	sadd.s32 $0x3600, s0;
	s7 =	sadd.s32 $0x3700, s0;
	(pc) =	sbr.rel .LBB2_1-.Ltmp0, $4  }
0xe: {  	s26 =	sadd.s32 s1, s8;
	s0 =	simm.s32 $0x16800;
	s1 =	simm.s32 $0x17000  }
0xf: {  	v2 =	vlaneseq.u32;
	s8 =	simm.s32 $0x18000;
	s4 =	sadd.s32 $0x1400, s4;
	s25 =	smax.u32 s9, $0x1  }
0x10: {  	vm0 =	vmmov $0xffff;
	v1 =	vshrl.u32 v2, $0x3;
	s9 =	sadd.s32 $0x22800, s26;
	s26 =	simm.s32 $0xF000;
	[dreg:$0x2] =	wrdreg s4  }
0x11: {  	v0 =	vand.u32 $0x7, v2;
	v2 =	vor.u32 $0x8, v2;
	v1 =	vmul.u32 $0x8, v1;
	[dreg:$0x3] =	wrdreg s25;
	s4 =	simm.s32 $0x17800;
	s25 =	simm.s32 $0x0  }
.LBB2_5:
0x12: {  	_ =	swait.ge [sflag:s22], $0xE000  }
0x13: {  	[sflag:s22] =	ssyncset.done $0x0  }
0x14: {  	s24 =	simm.s32 $0x4;
	[sflag:s22] =	ssyncadd.s32 $0xFFFF2000  }
0x15: {  	_ =	swait.ge [sflag:s24], $0xE000  }
0x16: {  	s25 =	rddreg [dreg:$0x4]  }
0x17: {  	s23 =	rddreg [dreg:$0x3];
	s25 =	sadd.s32 $0x1, s25  }
0x18: {  	p0 =	sne.s32 s25, s23  }
.Ltmp1:
0x19: {  	_ = 	snop;
	(pc) =	sbr.rel @!p0 .LBB2_6-.Ltmp1, $3  }
0x1a: {  	_ =	sdelay $0x1  }
0x1b: {  	[sflag:s24] =	ssyncset.done $0x0  }
0x1c: {  	[sflag:s24] =	ssyncadd.s32 $0xFFFF2000  }
.LBB2_1:
0x1d: {  	[dreg:$0x4] =	wrdreg s25  }
0x1e: {  	s23 =	rddreg [dreg:$0x2];
	s24 =	simm.s32 $0x5  }
0x1f: {  	[tilespmem:s2], [sflag:$0x5] =	stream.linear.gather [hbm4b:s23+s2], $0x800, $0x38;
	[tilespmem:$0x1C800] =	vst v63  }
0x20: {  	_ =	swait.ge [sflag:s24], $0x800  }
0x21: {  	[sflag:s24] =	ssyncset.done $0x0  }
0x22: {  	[sflag:s24] =	ssyncadd.s32 $0xFFFFF800  }
0x23: {  	v3 =	vld [tilespmem:$0x0];
	_ =	sdelay $0x4  }
0x24: {  	v4 =	vshll.u32 v3, $0x3  }
0x25: {  	v3 =	vand.u32 $0x7, v3;
	v4 =	vand.u32 $0xFFFFFFC0, v4  }
0x26: {  	v3 =	vor.u32 v3, v4  }
0x27: {  	v4 =	vperm.xlane v3, v0;
	_ =	sdelay $0x1  }
0x28: {  	v4 =	vadd.s32 v1, v4;
	_ =	sdelay $0x4  }
0x29: {  	[tilespmem:s11], [sflag:$0x1] =	stream.indirect_vreg.gather [hbm4b:s3+s2], $0x80, v4, vm0, $0xb8;
	[tilespmem:$0x1C800] =	vst v63  }
0x2a: {  	s25 =	simm.s32 $0x1000;
	v3 =	vperm.xlane v3, v2  }
0x2b: {  	[tilespmem:s25], [sflag:$0x1] =	stream.indirect_vreg.gather [hbm4b:s5+s2], $0x80, v4, vm0, $0xb8;
	[tilespmem:$0x1C800] =	vst v63  }
0x2c: {  	s24 =	simm.s32 $0x1800;
	v3 =	vadd.s32 v1, v3  }
0x2d: {  	[tilespmem:s24], [sflag:$0x1] =	stream.indirect_vreg.gather [hbm4b:s6+s2], $0x80, v4, vm0, $0xb8;
	[tilespmem:$0x1C800] =	vst v63  }
0x2e: {  	s25 =	simm.s32 $0x2000  }
0x2f: {  	[tilespmem:s25], [sflag:$0x1] =	stream.indirect_vreg.gather [hbm4b:s7+s2], $0x80, v4, vm0, $0xb8;
	[tilespmem:$0x1C800] =	vst v63  }
0x30: {  	s24 =	simm.s32 $0x2800  }
0x31: {  	[tilespmem:s24], [sflag:$0x1] =	stream.indirect_vreg.gather [hbm4b:s3+s2], $0x80, v3, vm0, $0xb8;
	[tilespmem:$0x1C800] =	vst v63  }
0x32: {  	s25 =	simm.s32 $0x3000  }
0x33: {  	[tilespmem:s25], [sflag:$0x1] =	stream.indirect_vreg.gather [hbm4b:s5+s2], $0x80, v3, vm0, $0xb8;
	[tilespmem:$0x1C800] =	vst v63  }
0x34: {  	s24 =	simm.s32 $0x3800  }
0x35: {  	[tilespmem:s24], [sflag:$0x1] =	stream.indirect_vreg.gather [hbm4b:s6+s2], $0x80, v3, vm0, $0xb8;
	[tilespmem:$0x1C800] =	vst v63  }
0x36: {  	s25 =	simm.s32 $0x4000  }
0x37: {  	[tilespmem:s25], [sflag:$0x1] =	stream.indirect_vreg.gather [hbm4b:s7+s2], $0x80, v3, vm0, $0xb8;
	[tilespmem:$0x1C800] =	vst v63  }
0x38: {  	v3 =	vld [tilespmem:$0x10];
	_ =	sdelay $0x4  }
0x39: {  	v61 =	vshll.u32 v3, $0x3  }
0x3a: {  	v3 =	vand.u32 $0x7, v3;
	v4 =	vand.u32 $0xFFFFFFC0, v61  }
0x3b: {  	v3 =	vor.u32 v3, v4  }
0x3c: {  	v4 =	vperm.xlane v3, v0;
	_ =	sdelay $0x1  }
0x3d: {  	v4 =	vadd.s32 v1, v4;
	_ =	sdelay $0x3  }
0x3e: {  	s24 =	simm.s32 $0x4800  }
0x3f: {  	[tilespmem:s24], [sflag:$0x1] =	stream.indirect_vreg.gather [hbm4b:s3+s2], $0x80, v4, vm0, $0xb8;
	[tilespmem:$0x1C800] =	vst v63  }
0x40: {  	s25 =	simm.s32 $0x5000;
	v3 =	vperm.xlane v3, v2  }
0x41: {  	[tilespmem:s25], [sflag:$0x1] =	stream.indirect_vreg.gather [hbm4b:s5+s2], $0x80, v4, vm0, $0xb8;
	[tilespmem:$0x1C800] =	vst v63  }
0x42: {  	v3 =	vadd.s32 v1, v3;
	s24 =	simm.s32 $0x5800  }
0x43: {  	[tilespmem:s24], [sflag:$0x1] =	stream.indirect_vreg.gather [hbm4b:s6+s2], $0x80, v4, vm0, $0xb8;
	[tilespmem:$0x1C800] =	vst v63  }
0x44: {  	s25 =	simm.s32 $0x6000  }
0x45: {  	[tilespmem:s25], [sflag:$0x1] =	stream.indirect_vreg.gather [hbm4b:s7+s2], $0x80, v4, vm0, $0xb8;
	[tilespmem:$0x1C800] =	vst v63  }
0x46: {  	s24 =	simm.s32 $0x6800  }
0x47: {  	[tilespmem:s24], [sflag:$0x1] =	stream.indirect_vreg.gather [hbm4b:s3+s2], $0x80, v3, vm0, $0xb8;
	[tilespmem:$0x1C800] =	vst v63  }
0x48: {  	s25 =	simm.s32 $0x7000  }
0x49: {  	[tilespmem:s25], [sflag:$0x1] =	stream.indirect_vreg.gather [hbm4b:s5+s2], $0x80, v3, vm0, $0xb8;
	[tilespmem:$0x1C800] =	vst v63  }
0x4a: {  	s24 =	simm.s32 $0x7800  }
0x4b: {  	[tilespmem:s24], [sflag:$0x1] =	stream.indirect_vreg.gather [hbm4b:s6+s2], $0x80, v3, vm0, $0xb8;
	[tilespmem:$0x1C800] =	vst v63  }
0x4c: {  	s25 =	simm.s32 $0x8000  }
0x4d: {  	[tilespmem:s25], [sflag:$0x1] =	stream.indirect_vreg.gather [hbm4b:s7+s2], $0x80, v3, vm0, $0xb8;
	[tilespmem:$0x1C800] =	vst v63  }
0x4e: {  	v3 =	vld [tilespmem:$0x20];
	_ =	sdelay $0x4  }
0x4f: {  	v62 =	vshll.u32 v3, $0x3  }
0x50: {  	v3 =	vand.u32 $0x7, v3;
	v4 =	vand.u32 $0xFFFFFFC0, v62  }
0x51: {  	v3 =	vor.u32 v3, v4  }
0x52: {  	v4 =	vperm.xlane v3, v0;
	_ =	sdelay $0x1  }
0x53: {  	v4 =	vadd.s32 v1, v4;
	_ =	sdelay $0x3  }
0x54: {  	s24 =	simm.s32 $0x8800  }
0x55: {  	[tilespmem:s24], [sflag:$0x1] =	stream.indirect_vreg.gather [hbm4b:s3+s2], $0x80, v4, vm0, $0xb8;
	[tilespmem:$0x1C800] =	vst v63  }
0x56: {  	s25 =	simm.s32 $0x9000;
	v3 =	vperm.xlane v3, v2  }
0x57: {  	[tilespmem:s25], [sflag:$0x1] =	stream.indirect_vreg.gather [hbm4b:s5+s2], $0x80, v4, vm0, $0xb8;
	[tilespmem:$0x1C800] =	vst v63  }
0x58: {  	v3 =	vadd.s32 v1, v3;
	s24 =	simm.s32 $0x9800  }
0x59: {  	[tilespmem:s24], [sflag:$0x1] =	stream.indirect_vreg.gather [hbm4b:s6+s2], $0x80, v4, vm0, $0xb8;
	[tilespmem:$0x1C800] =	vst v63  }
0x5a: {  	s25 =	simm.s32 $0xA000  }
0x5b: {  	[tilespmem:s25], [sflag:$0x1] =	stream.indirect_vreg.gather [hbm4b:s7+s2], $0x80, v4, vm0, $0xb8;
	[tilespmem:$0x1C800] =	vst v63  }
0x5c: {  	s24 =	simm.s32 $0xA800  }
0x5d: {  	[tilespmem:s24], [sflag:$0x1] =	stream.indirect_vreg.gather [hbm4b:s3+s2], $0x80, v3, vm0, $0xb8;
	[tilespmem:$0x1C800] =	vst v63  }
0x5e: {  	s25 =	simm.s32 $0xB000  }
0x5f: {  	[tilespmem:s25], [sflag:$0x1] =	stream.indirect_vreg.gather [hbm4b:s5+s2], $0x80, v3, vm0, $0xb8;
	[tilespmem:$0x1C800] =	vst v63  }
0x60: {  	s24 =	simm.s32 $0xB800  }
0x61: {  	[tilespmem:s24], [sflag:$0x1] =	stream.indirect_vreg.gather [hbm4b:s6+s2], $0x80, v3, vm0, $0xb8;
	[tilespmem:$0x1C800] =	vst v63  }
0x62: {  	s25 =	simm.s32 $0xC000  }
0x63: {  	[tilespmem:s25], [sflag:$0x1] =	stream.indirect_vreg.gather [hbm4b:s7+s2], $0x80, v3, vm0, $0xb8;
	[tilespmem:$0x1C800] =	vst v63  }
0x64: {  	v3 =	vld.msk [tilespmem:$0x30], $0xff;
	_ =	sdelay $0x4  }
0x65: {  	v63 =	vshll.u32 v3, $0x3  }
0x66: {  	v3 =	vand.u32 $0x7, v3;
	v4 =	vand.u32 $0xFFFFFFC0, v63  }
0x67: {  	v3 =	vor.u32 v3, v4  }
0x68: {  	v3 =	vperm.xlane v3, v0;
	_ =	sdelay $0x1  }
0x69: {  	v3 =	vadd.s32 v1, v3;
	_ =	sdelay $0x3  }
0x6a: {  	s24 =	simm.s32 $0xC800  }
0x6b: {  	[tilespmem:s24], [sflag:$0x1] =	stream.indirect_vreg.gather [hbm4b:s3+s2], $0x80, v3, vm0, $0xb8;
	[tilespmem:$0x1C800] =	vst v63  }
0x6c: {  	s25 =	simm.s32 $0xD000  }
0x6d: {  	[tilespmem:s25], [sflag:$0x1] =	stream.indirect_vreg.gather [hbm4b:s5+s2], $0x80, v3, vm0, $0xb8;
	[tilespmem:$0x1C800] =	vst v63  }
.Ltmp2:
0x6e: {  	_ = 	snop;
	(pc) =	sbr.rel .LBB2_2-.Ltmp2, $4  }
0x6f: {  	s24 =	simm.s32 $0xD800  }
0x70: {  	[tilespmem:s24], [sflag:$0x1] =	stream.indirect_vreg.gather [hbm4b:s6+s2], $0x80, v3, vm0, $0xb8;
	[tilespmem:$0x1C800] =	vst v63  }
0x71: {  	s23 =	simm.s32 $0x60;
	s25 =	simm.s32 $0xE000;
	s24 =	simm.s32 $0x0  }
0x72: {  	[tilespmem:s25], [sflag:$0x1] =	stream.indirect_vreg.gather [hbm4b:s7+s2], $0x80, v3, vm0, $0xb8;
	[tilespmem:$0x1C800] =	vst v63  }
.LBB2_4:
0x73: {  	s24 =	sadd.s32 $0x3800, s24  }
0x74: {  	p0 =	sne.s32 s24, $0x38000  }
.Ltmp3:
0x75: {  	_ = 	snop;
	(pc) =	sbr.rel @!p0 .LBB2_5-.Ltmp3, $4  }
0x76: {  	_ =	swait.ge [sflag:s21], $0xE000  }
0x77: {  	[sflag:s21] =	ssyncset.done $0x0  }
0x78: {  	s25 =	sadd.s32 $0x1C00, s25;
	s23 =	sadd.s32 $0x80, s23;
	[sflag:s21] =	ssyncadd.s32 $0xFFFF2000  }
0x79: {  	[hbm4b:s25+s2] =	stream.linear.scatter [tilespmem:s15], [sflag:$0x4], $0xE000, $0x38;
	[tilespmem:$0x1C800] =	vst v63  }
.LBB2_2:
0x7a: {  	p0 =	seq.s32 s24, $0x0  }
0x7b: {  	s25 =	simm.s32 @!p0 $0x4  }
0x7c: {  	_ =	swait.ge @!p0 [sflag:s25], $0xE000  }
0x7d: {  	[sflag:s25] =	ssyncset.done @!p0 $0x0  }
0x7e: {  	[sflag:s25] =	ssyncadd.s32 @!p0 $0xFFFF2000  }
0x7f: {  	v3 =	vld [tilespmem:s23+$0xFFFFFFE0];
	_ =	sdelay $0x4  }
0x80: {  	v4 =	vshll.u32 v3, $0x3  }
0x81: {  	v3 =	vand.u32 $0x7, v3;
	v4 =	vand.u32 $0xFFFFFFC0, v4  }
0x82: {  	v3 =	vor.u32 v3, v4  }
0x83: {  	v4 =	vperm.xlane v3, v0;
	_ =	sdelay $0x1  }
0x84: {  	v4 =	vadd.s32 v1, v4;
	_ =	sdelay $0x4  }
0x85: {  	[tilespmem:s15], [sflag:$0x2] =	stream.indirect_vreg.gather [hbm4b:s3+s2], $0x80, v4, vm0, $0xb8;
	[tilespmem:$0x1C800] =	vst v63  }
0x86: {  	v3 =	vperm.xlane v3, v2  }
0x87: {  	[tilespmem:s26], [sflag:$0x2] =	stream.indirect_vreg.gather [hbm4b:s5+s2], $0x80, v4, vm0, $0xb8;
	[tilespmem:$0x1C800] =	vst v63  }
0x88: {  	s25 =	simm.s32 $0xF800;
	v3 =	vadd.s32 v1, v3  }
0x89: {  	[tilespmem:s25], [sflag:$0x2] =	stream.indirect_vreg.gather [hbm4b:s6+s2], $0x80, v4, vm0, $0xb8;
	[tilespmem:$0x1C800] =	vst v63  }
0x8a: {  	s25 =	simm.s32 $0x10000  }
0x8b: {  	[tilespmem:s25], [sflag:$0x2] =	stream.indirect_vreg.gather [hbm4b:s7+s2], $0x80, v4, vm0, $0xb8;
	[tilespmem:$0x1C800] =	vst v63  }
0x8c: {  	s25 =	simm.s32 $0x10800  }
0x8d: {  	[tilespmem:s25], [sflag:$0x2] =	stream.indirect_vreg.gather [hbm4b:s3+s2], $0x80, v3, vm0, $0xb8;
	[tilespmem:$0x1C800] =	vst v63  }
0x8e: {  	s25 =	simm.s32 $0x11000  }
0x8f: {  	[tilespmem:s25], [sflag:$0x2] =	stream.indirect_vreg.gather [hbm4b:s5+s2], $0x80, v3, vm0, $0xb8;
	[tilespmem:$0x1C800] =	vst v63  }
0x90: {  	s25 =	simm.s32 $0x11800  }
0x91: {  	[tilespmem:s25], [sflag:$0x2] =	stream.indirect_vreg.gather [hbm4b:s6+s2], $0x80, v3, vm0, $0xb8;
	[tilespmem:$0x1C800] =	vst v63  }
0x92: {  	s25 =	simm.s32 $0x12000  }
0x93: {  	[tilespmem:s25], [sflag:$0x2] =	stream.indirect_vreg.gather [hbm4b:s7+s2], $0x80, v3, vm0, $0xb8;
	[tilespmem:$0x1C800] =	vst v63  }
0x94: {  	v3 =	vld [tilespmem:s23+$0xFFFFFFF0];
	_ =	sdelay $0x4  }
0x95: {  	v61 =	vshll.u32 v3, $0x3  }
0x96: {  	v3 =	vand.u32 $0x7, v3;
	v4 =	vand.u32 $0xFFFFFFC0, v61  }
0x97: {  	v3 =	vor.u32 v3, v4  }
0x98: {  	v4 =	vperm.xlane v3, v0;
	_ =	sdelay $0x1  }
0x99: {  	v4 =	vadd.s32 v1, v4;
	_ =	sdelay $0x3  }
0x9a: {  	s25 =	simm.s32 $0x12800  }
0x9b: {  	[tilespmem:s25], [sflag:$0x2] =	stream.indirect_vreg.gather [hbm4b:s3+s2], $0x80, v4, vm0, $0xb8;
	[tilespmem:$0x1C800] =	vst v63  }
0x9c: {  	v3 =	vperm.xlane v3, v2;
	s25 =	simm.s32 $0x13000  }
0x9d: {  	[tilespmem:s25], [sflag:$0x2] =	stream.indirect_vreg.gather [hbm4b:s5+s2], $0x80, v4, vm0, $0xb8;
	[tilespmem:$0x1C800] =	vst v63  }
0x9e: {  	v3 =	vadd.s32 v1, v3;
	s25 =	simm.s32 $0x13800  }
0x9f: {  	[tilespmem:s25], [sflag:$0x2] =	stream.indirect_vreg.gather [hbm4b:s6+s2], $0x80, v4, vm0, $0xb8;
	[tilespmem:$0x1C800] =	vst v63  }
0xa0: {  	s25 =	simm.s32 $0x14000  }
0xa1: {  	[tilespmem:s25], [sflag:$0x2] =	stream.indirect_vreg.gather [hbm4b:s7+s2], $0x80, v4, vm0, $0xb8;
	[tilespmem:$0x1C800] =	vst v63  }
0xa2: {  	_ = 	snop  }
0xa3: {  	[tilespmem:s28], [sflag:$0x2] =	stream.indirect_vreg.gather [hbm4b:s3+s2], $0x80, v3, vm0, $0xb8;
	[tilespmem:$0x1C800] =	vst v63  }
0xa4: {  	_ = 	snop  }
0xa5: {  	[tilespmem:s29], [sflag:$0x2] =	stream.indirect_vreg.gather [hbm4b:s5+s2], $0x80, v3, vm0, $0xb8;
	[tilespmem:$0x1C800] =	vst v63  }
0xa6: {  	_ = 	snop  }
0xa7: {  	[tilespmem:s30], [sflag:$0x2] =	stream.indirect_vreg.gather [hbm4b:s6+s2], $0x80, v3, vm0, $0xb8;
	[tilespmem:$0x1C800] =	vst v63  }
0xa8: {  	_ = 	snop  }
0xa9: {  	[tilespmem:s31], [sflag:$0x2] =	stream.indirect_vreg.gather [hbm4b:s7+s2], $0x80, v3, vm0, $0xb8;
	[tilespmem:$0x1C800] =	vst v63  }
0xaa: {  	v3 =	vld [tilespmem:s23+$0x0];
	_ =	sdelay $0x4  }
0xab: {  	v62 =	vshll.u32 v3, $0x3  }
0xac: {  	v3 =	vand.u32 $0x7, v3;
	v4 =	vand.u32 $0xFFFFFFC0, v62  }
0xad: {  	v3 =	vor.u32 v3, v4  }
0xae: {  	v4 =	vperm.xlane v3, v0;
	_ =	sdelay $0x1  }
0xaf: {  	v4 =	vadd.s32 v1, v4;
	_ =	sdelay $0x4  }
0xb0: {  	[tilespmem:s0], [sflag:$0x2] =	stream.indirect_vreg.gather [hbm4b:s3+s2], $0x80, v4, vm0, $0xb8;
	[tilespmem:$0x1C800] =	vst v63  }
0xb1: {  	v3 =	vperm.xlane v3, v2  }
0xb2: {  	[tilespmem:s1], [sflag:$0x2] =	stream.indirect_vreg.gather [hbm4b:s5+s2], $0x80, v4, vm0, $0xb8;
	[tilespmem:$0x1C800] =	vst v63  }
0xb3: {  	v3 =	vadd.s32 v1, v3  }
0xb4: {  	[tilespmem:s4], [sflag:$0x2] =	stream.indirect_vreg.gather [hbm4b:s6+s2], $0x80, v4, vm0, $0xb8;
	[tilespmem:$0x1C800] =	vst v63  }
0xb5: {  	_ = 	snop  }
0xb6: {  	[tilespmem:s8], [sflag:$0x2] =	stream.indirect_vreg.gather [hbm4b:s7+s2], $0x80, v4, vm0, $0xb8;
	[tilespmem:$0x1C800] =	vst v63  }
0xb7: {  	_ = 	snop  }
0xb8: {  	[tilespmem:s10], [sflag:$0x2] =	stream.indirect_vreg.gather [hbm4b:s3+s2], $0x80, v3, vm0, $0xb8;
	[tilespmem:$0x1C800] =	vst v63  }
0xb9: {  	_ = 	snop  }
0xba: {  	[tilespmem:s12], [sflag:$0x2] =	stream.indirect_vreg.gather [hbm4b:s5+s2], $0x80, v3, vm0, $0xb8;
	[tilespmem:$0x1C800] =	vst v63  }
0xbb: {  	_ = 	snop  }
0xbc: {  	[tilespmem:s13], [sflag:$0x2] =	stream.indirect_vreg.gather [hbm4b:s6+s2], $0x80, v3, vm0, $0xb8;
	[tilespmem:$0x1C800] =	vst v63  }
0xbd: {  	_ = 	snop  }
0xbe: {  	[tilespmem:s14], [sflag:$0x2] =	stream.indirect_vreg.gather [hbm4b:s7+s2], $0x80, v3, vm0, $0xb8;
	[tilespmem:$0x1C800] =	vst v63  }
0xbf: {  	v3 =	vld.msk [tilespmem:s23+$0x10], $0xff;
	_ =	sdelay $0x4  }
0xc0: {  	v63 =	vshll.u32 v3, $0x3  }
0xc1: {  	v3 =	vand.u32 $0x7, v3;
	v4 =	vand.u32 $0xFFFFFFC0, v63  }
0xc2: {  	v3 =	vor.u32 v3, v4  }
0xc3: {  	v3 =	vperm.xlane v3, v0;
	_ =	sdelay $0x1  }
0xc4: {  	v3 =	vadd.s32 v1, v3;
	_ =	sdelay $0x4  }
0xc5: {  	[tilespmem:s16], [sflag:$0x2] =	stream.indirect_vreg.gather [hbm4b:s3+s2], $0x80, v3, vm0, $0xb8;
	[tilespmem:$0x1C800] =	vst v63  }
0xc6: {  	_ = 	snop  }
0xc7: {  	[tilespmem:s17], [sflag:$0x2] =	stream.indirect_vreg.gather [hbm4b:s5+s2], $0x80, v3, vm0, $0xb8;
	[tilespmem:$0x1C800] =	vst v63  }
0xc8: {  	_ = 	snop  }
0xc9: {  	[tilespmem:s18], [sflag:$0x2] =	stream.indirect_vreg.gather [hbm4b:s6+s2], $0x80, v3, vm0, $0xb8;
	[tilespmem:$0x1C800] =	vst v63  }
0xca: {  	p0 =	seq.s32 s24, $0x34800  }
0xcb: {  	[tilespmem:s19], [sflag:$0x2] =	stream.indirect_vreg.gather [hbm4b:s7+s2], $0x80, v3, vm0, $0xb8;
	[tilespmem:$0x1C800] =	vst v63  }
.Ltmp4:
0xcc: {  	_ = 	snop;
	(pc) =	sbr.rel @p0 .LBB2_4-.Ltmp4, $4  }
0xcd: {  	_ =	swait.ge [sflag:s20], $0xE000  }
0xce: {  	[sflag:s20] =	ssyncset.done $0x0  }
0xcf: {  	s25 =	sadd.s32 s24, s9;
	[sflag:s20] =	ssyncadd.s32 $0xFFFF2000  }
0xd0: {  	[hbm4b:s25+s2] =	stream.linear.scatter [tilespmem:s11], [sflag:$0x3], $0xE000, $0x38;
	[tilespmem:$0x1C800] =	vst v63  }
0xd1: {  	_ =	swait.ge [sflag:s22], $0xE000  }
0xd2: {  	[sflag:s22] =	ssyncset.done $0x0  }
0xd3: {  	[sflag:s22] =	ssyncadd.s32 $0xFFFF2000  }
0xd4: {  	v3 =	vld [tilespmem:s23+$0x20];
	_ =	sdelay $0x4  }
0xd5: {  	v4 =	vshll.u32 v3, $0x3  }
0xd6: {  	v3 =	vand.u32 $0x7, v3;
	v4 =	vand.u32 $0xFFFFFFC0, v4  }
0xd7: {  	v3 =	vor.u32 v3, v4  }
0xd8: {  	v4 =	vperm.xlane v3, v0;
	_ =	sdelay $0x1  }
0xd9: {  	v4 =	vadd.s32 v1, v4;
	_ =	sdelay $0x4  }
0xda: {  	[tilespmem:s11], [sflag:$0x1] =	stream.indirect_vreg.gather [hbm4b:s3+s2], $0x80, v4, vm0, $0xb8;
	[tilespmem:$0x1C800] =	vst v63  }
0xdb: {  	s26 =	simm.s32 $0x1000;
	v3 =	vperm.xlane v3, v2  }
0xdc: {  	[tilespmem:s26], [sflag:$0x1] =	stream.indirect_vreg.gather [hbm4b:s5+s2], $0x80, v4, vm0, $0xb8;
	[tilespmem:$0x1C800] =	vst v63  }
0xdd: {  	v3 =	vadd.s32 v1, v3;
	s26 =	simm.s32 $0x1800  }
0xde: {  	[tilespmem:s26], [sflag:$0x1] =	stream.indirect_vreg.gather [hbm4b:s6+s2], $0x80, v4, vm0, $0xb8;
	[tilespmem:$0x1C800] =	vst v63  }
0xdf: {  	s26 =	simm.s32 $0x2000  }
0xe0: {  	[tilespmem:s26], [sflag:$0x1] =	stream.indirect_vreg.gather [hbm4b:s7+s2], $0x80, v4, vm0, $0xb8;
	[tilespmem:$0x1C800] =	vst v63  }
0xe1: {  	s26 =	simm.s32 $0x2800  }
0xe2: {  	[tilespmem:s26], [sflag:$0x1] =	stream.indirect_vreg.gather [hbm4b:s3+s2], $0x80, v3, vm0, $0xb8;
	[tilespmem:$0x1C800] =	vst v63  }
0xe3: {  	s26 =	simm.s32 $0x3000  }
0xe4: {  	[tilespmem:s26], [sflag:$0x1] =	stream.indirect_vreg.gather [hbm4b:s5+s2], $0x80, v3, vm0, $0xb8;
	[tilespmem:$0x1C800] =	vst v63  }
0xe5: {  	s26 =	simm.s32 $0x3800  }
0xe6: {  	[tilespmem:s26], [sflag:$0x1] =	stream.indirect_vreg.gather [hbm4b:s6+s2], $0x80, v3, vm0, $0xb8;
	[tilespmem:$0x1C800] =	vst v63  }
0xe7: {  	s26 =	simm.s32 $0x4000  }
0xe8: {  	[tilespmem:s26], [sflag:$0x1] =	stream.indirect_vreg.gather [hbm4b:s7+s2], $0x80, v3, vm0, $0xb8;
	[tilespmem:$0x1C800] =	vst v63  }
0xe9: {  	v3 =	vld [tilespmem:s23+$0x30];
	_ =	sdelay $0x4  }
0xea: {  	v61 =	vshll.u32 v3, $0x3  }
0xeb: {  	v3 =	vand.u32 $0x7, v3;
	v4 =	vand.u32 $0xFFFFFFC0, v61  }
0xec: {  	v3 =	vor.u32 v3, v4  }
0xed: {  	v4 =	vperm.xlane v3, v0;
	_ =	sdelay $0x1  }
0xee: {  	v4 =	vadd.s32 v1, v4;
	_ =	sdelay $0x3  }
0xef: {  	s26 =	simm.s32 $0x4800  }
0xf0: {  	[tilespmem:s26], [sflag:$0x1] =	stream.indirect_vreg.gather [hbm4b:s3+s2], $0x80, v4, vm0, $0xb8;
	[tilespmem:$0x1C800] =	vst v63  }
0xf1: {  	v3 =	vperm.xlane v3, v2;
	s26 =	simm.s32 $0x5000  }
0xf2: {  	[tilespmem:s26], [sflag:$0x1] =	stream.indirect_vreg.gather [hbm4b:s5+s2], $0x80, v4, vm0, $0xb8;
	[tilespmem:$0x1C800] =	vst v63  }
0xf3: {  	v3 =	vadd.s32 v1, v3;
	s26 =	simm.s32 $0x5800  }
0xf4: {  	[tilespmem:s26], [sflag:$0x1] =	stream.indirect_vreg.gather [hbm4b:s6+s2], $0x80, v4, vm0, $0xb8;
	[tilespmem:$0x1C800] =	vst v63  }
0xf5: {  	s26 =	simm.s32 $0x6000  }
0xf6: {  	[tilespmem:s26], [sflag:$0x1] =	stream.indirect_vreg.gather [hbm4b:s7+s2], $0x80, v4, vm0, $0xb8;
	[tilespmem:$0x1C800] =	vst v63  }
0xf7: {  	s26 =	simm.s32 $0x6800  }
0xf8: {  	[tilespmem:s26], [sflag:$0x1] =	stream.indirect_vreg.gather [hbm4b:s3+s2], $0x80, v3, vm0, $0xb8;
	[tilespmem:$0x1C800] =	vst v63  }
0xf9: {  	s26 =	simm.s32 $0x7000  }
0xfa: {  	[tilespmem:s26], [sflag:$0x1] =	stream.indirect_vreg.gather [hbm4b:s5+s2], $0x80, v3, vm0, $0xb8;
	[tilespmem:$0x1C800] =	vst v63  }
0xfb: {  	s26 =	simm.s32 $0x7800  }
0xfc: {  	[tilespmem:s26], [sflag:$0x1] =	stream.indirect_vreg.gather [hbm4b:s6+s2], $0x80, v3, vm0, $0xb8;
	[tilespmem:$0x1C800] =	vst v63  }
0xfd: {  	s26 =	simm.s32 $0x8000  }
0xfe: {  	[tilespmem:s26], [sflag:$0x1] =	stream.indirect_vreg.gather [hbm4b:s7+s2], $0x80, v3, vm0, $0xb8;
	[tilespmem:$0x1C800] =	vst v63  }
0xff: {  	v3 =	vld [tilespmem:s23+$0x40];
	_ =	sdelay $0x4  }
0x100: {  	v62 =	vshll.u32 v3, $0x3  }
0x101: {  	v3 =	vand.u32 $0x7, v3;
	v4 =	vand.u32 $0xFFFFFFC0, v62  }
0x102: {  	v3 =	vor.u32 v3, v4  }
0x103: {  	v4 =	vperm.xlane v3, v0;
	_ =	sdelay $0x1  }
0x104: {  	v4 =	vadd.s32 v1, v4;
	_ =	sdelay $0x3  }
0x105: {  	s26 =	simm.s32 $0x8800  }
0x106: {  	[tilespmem:s26], [sflag:$0x1] =	stream.indirect_vreg.gather [hbm4b:s3+s2], $0x80, v4, vm0, $0xb8;
	[tilespmem:$0x1C800] =	vst v63  }
0x107: {  	v3 =	vperm.xlane v3, v2;
	s26 =	simm.s32 $0x9000  }
0x108: {  	[tilespmem:s26], [sflag:$0x1] =	stream.indirect_vreg.gather [hbm4b:s5+s2], $0x80, v4, vm0, $0xb8;
	[tilespmem:$0x1C800] =	vst v63  }
0x109: {  	v3 =	vadd.s32 v1, v3;
	s26 =	simm.s32 $0x9800  }
0x10a: {  	[tilespmem:s26], [sflag:$0x1] =	stream.indirect_vreg.gather [hbm4b:s6+s2], $0x80, v4, vm0, $0xb8;
	[tilespmem:$0x1C800] =	vst v63  }
0x10b: {  	s26 =	simm.s32 $0xA000  }
0x10c: {  	[tilespmem:s26], [sflag:$0x1] =	stream.indirect_vreg.gather [hbm4b:s7+s2], $0x80, v4, vm0, $0xb8;
	[tilespmem:$0x1C800] =	vst v63  }
0x10d: {  	s26 =	simm.s32 $0xA800  }
0x10e: {  	[tilespmem:s26], [sflag:$0x1] =	stream.indirect_vreg.gather [hbm4b:s3+s2], $0x80, v3, vm0, $0xb8;
	[tilespmem:$0x1C800] =	vst v63  }
0x10f: {  	s26 =	simm.s32 $0xB000  }
0x110: {  	[tilespmem:s26], [sflag:$0x1] =	stream.indirect_vreg.gather [hbm4b:s5+s2], $0x80, v3, vm0, $0xb8;
	[tilespmem:$0x1C800] =	vst v63  }
0x111: {  	s26 =	simm.s32 $0xB800  }
0x112: {  	[tilespmem:s26], [sflag:$0x1] =	stream.indirect_vreg.gather [hbm4b:s6+s2], $0x80, v3, vm0, $0xb8;
	[tilespmem:$0x1C800] =	vst v63  }
0x113: {  	s26 =	simm.s32 $0xC000  }
0x114: {  	[tilespmem:s26], [sflag:$0x1] =	stream.indirect_vreg.gather [hbm4b:s7+s2], $0x80, v3, vm0, $0xb8;
	[tilespmem:$0x1C800] =	vst v63  }
0x115: {  	v3 =	vld.msk [tilespmem:s23+$0x50], $0xff;
	_ =	sdelay $0x4  }
0x116: {  	v63 =	vshll.u32 v3, $0x3  }
0x117: {  	v3 =	vand.u32 $0x7, v3;
	v4 =	vand.u32 $0xFFFFFFC0, v63  }
0x118: {  	v3 =	vor.u32 v3, v4  }
0x119: {  	v3 =	vperm.xlane v3, v0;
	_ =	sdelay $0x1  }
0x11a: {  	v3 =	vadd.s32 v1, v3;
	_ =	sdelay $0x3  }
0x11b: {  	s26 =	simm.s32 $0xC800  }
0x11c: {  	[tilespmem:s26], [sflag:$0x1] =	stream.indirect_vreg.gather [hbm4b:s3+s2], $0x80, v3, vm0, $0xb8;
	[tilespmem:$0x1C800] =	vst v63  }
0x11d: {  	s26 =	simm.s32 $0xD000  }
0x11e: {  	[tilespmem:s26], [sflag:$0x1] =	stream.indirect_vreg.gather [hbm4b:s5+s2], $0x80, v3, vm0, $0xb8;
	[tilespmem:$0x1C800] =	vst v63  }
.Ltmp5:
0x11f: {  	s26 =	simm.s32 $0xD800;
	(pc) =	sbr.rel .LBB2_4-.Ltmp5, $4  }
0x120: {  	[tilespmem:s26], [sflag:$0x1] =	stream.indirect_vreg.gather [hbm4b:s6+s2], $0x80, v3, vm0, $0xb8;
	[tilespmem:$0x1C800] =	vst v63  }
0x121: {  	s26 =	simm.s32 $0xE000  }
0x122: {  	[tilespmem:s26], [sflag:$0x1] =	stream.indirect_vreg.gather [hbm4b:s7+s2], $0x80, v3, vm0, $0xb8;
	[tilespmem:$0x1C800] =	vst v63  }
0x123: {  	s26 =	simm.s32 $0xF000  }
.LBB2_6:
0x124: {  	_ =	sfence.sel $0x180000  }
0x125: {  	[bflag:$0x0] =	sbarrier.arrive $0xFFFF  }
0x126: {  	_ =	strace $0x90000047  }
0x127: {  	s0 =	stileid.u32;
	[bflag:$0x2] =	sbarrier.arrive $0xFFFF  }
0x128: {  	p0 =	sne.s32 s0, $0x0;
	s0 =	rddreg [dreg:$0x1]  }
0x129: {  	s0 =	sadd.s32 @!p0 $0x100000, s0  }
0x12a: {  	[sflag:s0] =	ssyncadd.tile.s32 @!p0 $0x1;
	_ =	shalt  }
.Lfunc_end2:
_tile_overlayer_lowered:
.L_overlay_start_2:
0x12b: {  	(tag) =	ssettag $0x2  }
0x12c: {  	s0 =	rddreg [dreg:$0x0];
	s2 =	stileid.u32  }
0x12d: {  	s1 =	rddreg [dreg:$0x1];
	p0 =	sne.s32 s2, $0x0  }
0x12e: {  	s3 =	rddreg [dreg:$0x2];
	[bflag:$0x3] =	sbarrier.arrive $0xFFFF;
	s2 =	simm.s32 @!p0 $0x1C05  }
0x12f: {  	[timem:s3], [sflag:s2] =	dma.local @!p0 [hbm:s0], s1  }
0x130: {  	s0 =	simm.s32 @!p0 $0x5  }
0x131: {  	_ =	swait.ge @!p0 [sflag:s0], s1  }
0x132: {  	s1 =	ssub.s32 @!p0 $0x0, s1;
	[sflag:s0] =	ssyncset.done @!p0 $0x0  }
0x133: {  	[sflag:s0] =	ssyncadd.s32 @!p0 s1  }
0x134: {  	[bflag:$0x3] =	sbarrier.arrive $0xFFFF  }
0x135: {  	_ =	shalt  }

// kernel: kernel.9.cloned.1.call-start
scs
__scs_entry_jumppad:
0x0: {  	(pc) =	sbr.rel $0x88, $3  }
0x1: {  	(tag) =	ssettag $0x0;
	lr =	simm.s32 $0x1  }
0x2: {  	[smem:$0x3F9E] =	sst lr;
	_ =	strace $0xD0000000  }
0x3: {  	_ = 	snop  }
0x4: {  	_ = 	snop  }
0x5: {  	_ = 	snop  }
0x6: {  	_ = 	snop  }
0x7: {  	_ = 	snop  }
__scs_overlays_trampoline_lowered:
0x8: {  	[smem:$0x3FAD] =	sst s0  }
0x9: {  	[smem:$0x3FAE] =	sst s1  }
0xa: {  	[smem:$0x3FAF] =	sst s2  }
0xb: {  	[smem:$0x3FB0] =	sst s3  }
0xc: {  	[smem:$0x3FB1] =	sst s4  }
0xd: {  	[smem:$0x3FB2] =	sst s5  }
0xe: {  	[smem:$0x3FB3] =	sst s6  }
0xf: {  	[smem:$0x3FB4] =	sst s7  }
0x10: {  	[smem:$0x3FB5] =	sst s8  }
0x11: {  	[smem:$0x3FB6] =	sst s9;
	s0 =	simm.s32 @!p0 $0x0  }
0x12: {  	s1 =	sld [smem:$0x3F9C];
	s0 =	simm.s32 @p0 $0x1  }
0x13: {  	[smem:$0x3FB7] =	sst s0;
	s0 =	simm.s32 @!p1 $0x0  }
0x14: {  	s2 =	sld [smem:$0x3F9B];
	s0 =	simm.s32 @p1 $0x1  }
0x15: {  	[smem:$0x3FB8] =	sst s0;
	s0 =	simm.s32 @!p2 $0x0  }
0x16: {  	s3 =	sld [smem:$0x3FDB];
	s0 =	simm.s32 @p2 $0x1  }
0x17: {  	s4 =	simm.s32 $0x1BF5;
	[smem:$0x3FBA] =	sst s0  }
0x18: {  	s0 =	sld [smem:$0x3F9D];
	_ =	swait.ge [sflag:s4], $0x0  }
0x19: {  	s7 =	sld [smem:$0x3F9E]  }
0x1a: {  	s8 =	sadd.s32 $0xFFFFE003, lr  }
0x1b: {  	s9 =	sadd.s32 $0xFFFFFEF7, lr;
	s5 =	simm.s32 $0xFFFFFFFF;
	p2 =	slt.u32 s8, $0xFFFFF086  }
0x1c: {  	p1 =	slt.u32 s9, $0xF7A;
	s5 =	simm.s32 @!p2 $0x0  }
0x1d: {  	s5 =	simm.s32 @p1 $0x1;
	p0 =	seq.s32 s7, s2  }
0x1e: {  	s7 =	smul.u32 @!p0 $0xF7A, s2;
	p2 =	seq.s32 @!p0 s5, $0x0  }
0x1f: {  	s9 =	smul.u32 $0xF7A, s1;
	s8 =	simm.s32 @!p0 $0x1BF5;
	p2 =	por !p2, p0  }
0x20: {  	[sflag:s8] =	ssyncset.s32 @!p0 $0xFFFFF086;
	s6 =	sadd.s32 @!p0 s3, s7;
	s7 =	simm.s32 @!p0 $0x108  }
0x21: {  	s3 =	sadd.s32 s3, s9;
	s6 =	sadd.s32 @!p0 $0x88, s6;
	s7 =	simm.s32 @p2 $0x1082  }
0x22: {  	[simem:s7], [sflag:s8] =	dma.local @!p0 [hbm:s6], $0xF7A  }
0x23: {  	s9 =	sor.u32 $0xD0000000, s2;
	s6 =	simm.s32 $0x108;
	_ =	swait.ge @!p0 [sflag:s8], $0x0  }
0x24: {  	s3 =	sadd.s32 $0x88, s3;
	s6 =	simm.s32 @!p1 $0x1082;
	[sflag:s4] =	ssyncset.s32 $0xFFFFF086  }
0x25: {  	[simem:s6], [sflag:s4] =	dma.local [hbm:s3], $0xF7A  }
0x26: {  	[smem:$0x3F9E] =	sst s1;
	(tag) =	ssettag s2;
	_ =	strace s9  }
0x27: {  	s1 =	sld [smem:$0x3FAE]  }
0x28: {  	s2 =	sld [smem:$0x3FAF]  }
0x29: {  	s4 =	sld [smem:$0x3FB1]  }
0x2a: {  	p0 =	seq.s32 s5, $0x0;
	s5 =	sld [smem:$0x3FB2]  }
0x2b: {  	s6 =	sld [smem:$0x3FB3]  }
0x2c: {  	s7 =	sld [smem:$0x3FB4]  }
0x2d: {  	s3 =	simm.s32 $0x108;
	s8 =	sld [smem:$0x3FB5]  }
0x2e: {  	s3 =	simm.s32 @!p0 $0x1082;
	s9 =	sld [smem:$0x3FB6]  }
0x2f: {  	lr =	sadd.s32 s0, s3;
	s0 =	sld [smem:$0x3FAD]  }
0x30: {  	s3 =	sld [smem:$0x3FB0]  }
0x31: {  	[smem:$0x3FB9] =	sst s10  }
0x32: {  	s10 =	sld [smem:$0x3FB7];
	_ =	sdelay $0x3  }
0x33: {  	p0 =	seq.s32 s10, $0x1;
	s10 =	sld [smem:$0x3FB9];
	_ =	sdelay $0x3  }
0x34: {  	[smem:$0x3FB9] =	sst s10  }
0x35: {  	s10 =	sld [smem:$0x3FB8];
	_ =	sdelay $0x3  }
0x36: {  	p1 =	seq.s32 s10, $0x1;
	s10 =	sld [smem:$0x3FB9];
	_ =	sdelay $0x3  }
0x37: {  	[smem:$0x3FB9] =	sst s10  }
0x38: {  	s10 =	sld [smem:$0x3FBA]  }
0x39: {  	_ = 	snop;
	(pc) =	sbr.ind lr, $3  }
0x3a: {  	_ = 	snop  }
0x3b: {  	_ = 	snop  }
0x3c: {  	p2 =	seq.s32 s10, $0x1;
	s10 =	sld [smem:$0x3FB9]  }
0x3d: {  	_ =	shalt  }
0x3e: {  	_ =	shalt  }
0x3f: {  	_ =	shalt  }
0x40: {  	_ =	shalt  }
0x41: {  	_ =	shalt  }
0x42: {  	_ =	shalt  }
0x43: {  	_ =	shalt  }
0x44: {  	_ =	shalt  }
0x45: {  	_ =	shalt  }
0x46: {  	_ =	shalt  }
0x47: {  	_ =	shalt  }
0x48: {  	_ =	shalt  }
0x49: {  	_ =	shalt  }
0x4a: {  	_ =	shalt  }
0x4b: {  	_ =	shalt  }
0x4c: {  	_ =	shalt  }
0x4d: {  	_ =	shalt  }
0x4e: {  	_ =	shalt  }
0x4f: {  	_ =	shalt  }
0x50: {  	_ =	shalt  }
0x51: {  	_ =	shalt  }
0x52: {  	_ =	shalt  }
0x53: {  	_ =	shalt  }
0x54: {  	_ =	shalt  }
0x55: {  	_ =	shalt  }
0x56: {  	_ =	shalt  }
0x57: {  	_ =	shalt  }
0x58: {  	_ =	shalt  }
0x59: {  	_ =	shalt  }
0x5a: {  	_ =	shalt  }
0x5b: {  	_ =	shalt  }
0x5c: {  	_ =	shalt  }
0x5d: {  	_ =	shalt  }
0x5e: {  	_ =	shalt  }
0x5f: {  	_ =	shalt  }
0x60: {  	_ =	shalt  }
0x61: {  	_ =	shalt  }
0x62: {  	_ =	shalt  }
0x63: {  	_ =	shalt  }
0x64: {  	_ =	shalt  }
0x65: {  	_ =	shalt  }
0x66: {  	_ =	shalt  }
0x67: {  	_ =	shalt  }
0x68: {  	_ =	shalt  }
0x69: {  	_ =	shalt  }
0x6a: {  	_ =	shalt  }
0x6b: {  	_ =	shalt  }
0x6c: {  	_ =	shalt  }
0x6d: {  	_ =	shalt  }
0x6e: {  	_ =	shalt  }
0x6f: {  	_ =	shalt  }
0x70: {  	_ =	shalt  }
0x71: {  	_ =	shalt  }
0x72: {  	_ =	shalt  }
0x73: {  	_ =	shalt  }
0x74: {  	_ =	shalt  }
0x75: {  	_ =	shalt  }
0x76: {  	_ =	shalt  }
0x77: {  	_ =	shalt  }
0x78: {  	_ =	shalt  }
0x79: {  	_ =	shalt  }
0x7a: {  	_ =	shalt  }
0x7b: {  	_ =	shalt  }
0x7c: {  	_ =	shalt  }
0x7d: {  	_ =	shalt  }
0x7e: {  	_ =	shalt  }
0x7f: {  	_ =	shalt  }
0x80: {  	_ =	shalt  }
0x81: {  	_ =	shalt  }
0x82: {  	_ =	shalt  }
0x83: {  	_ =	shalt  }
0x84: {  	_ =	shalt  }
0x85: {  	_ =	shalt  }
0x86: {  	_ =	shalt  }
0x87: {  	_ =	shalt  }
.Lfunc_end0:
.L_simem_size_0:
called_computation.2_lowered:
.L_overlay_start_0:
0x88: {  	s2 =	sld [smem:$0x3FD9]  }
0x89: {  	s3 =	sld [smem:$0x3FFE];
	_ =	sdelay $0x1  }
0x8a: {  	s1 =	srdreg.scid  }
0x8b: {  	s0 =	sand.u32 $0x1, s1  }
0x8c: {  	s17 =	sshll.u32 s0, $0xA;
	s2 =	sadd.s32 s3, s2  }
0x8d: {  	s2 =	sadd.s32 s2, s17  }
0x8e: {  	[smem:$0x3FC5] =	sst s2  }
0x8f: {  	_ = 	snop  }
0x90: {  	(tm) =	ssettm $0x1  }
0x91: {  	s18 =	sld [smem:$0x3FFB];
	_ =	sdelay $0x3  }
0x92: {  	_ =	strace s18  }
0x93: {  	s2 =	sld [smem:$0x3FFC];
	_ =	sdelay $0x3  }
0x94: {  	_ =	strace s2  }
0x95: {  	s2 =	sld [smem:$0x3FFD];
	_ =	sdelay $0x3  }
0x96: {  	_ =	strace s2  }
0x97: {  	_ =	strace $0x8FFFFFFF  }
0x98: {  	s19 =	sld [smem:$0x3FDB];
	_ =	sdelay $0x1  }
0x99: {  	s20 =	simm.s32 $_scs_section_size  }
0x9a: {  	s4 =	simm.s32 $_size__tile_overlayer_lowered;
	s5 =	simm.s32 $_tile_overlayer_lowered  }
0x9b: {  	s6 =	simm.s32 $0x1BFF;
	s21 =	sshll.u32 s5, $0x1;
	s3 =	sadd.s32 s20, s19  }
0x9c: {  	s22 =	simm.s32 $0x0;
	s4 =	sshll.u32 s4, $0x1;
	s5 =	sadd.s32 s21, s3  }
0x9d: {  	[timem:s22], [sflag:s6] =	dma.local [hbm:s5], s4  }
0x9e: {  	_ =	swait.ge [sflag:s6], s4  }
0x9f: {  	s4 =	ssub.s32 $0x0, s4;
	[sflag:s6] =	ssyncset.done $0x0  }
0xa0: {  	[sflag:s6] =	ssyncadd.s32 s4;
	_ =	sdelay $0x1  }
0xa1: {  	s23 =	simm.s32 $0x1B8B  }
0xa2: {  	_ =	swait.ge [sflag:s23], $0x1  }
0xa3: {  	[sflag:s23] =	ssyncset.done $0x0  }
0xa4: {  	[sflag:s23] =	ssyncadd.s32 $0xFFFFFFFF  }
0xa5: {  	s4 =	sld [smem:$0x0]  }
0xa6: {  	s5 =	sand.u32 $0xFFFFFFFE, s1  }
0xa7: {  	p0 =	sne.s32 s1, s5  }
0xa8: {  	s5 =	sshll.u32 @p0 s5, $0xE  }
0xa9: {  	s5 =	sadd.s32 @p0 $0x11B8D, s5;
	s6 =	sshll.u32 @p0 s4, $0x11  }
0xaa: {  	s5 =	sor.u32 @p0 s6, s5  }
0xab: {  	[sflag:s5] =	ssyncadd.remote.s32 @p0 $0x1;
	_ =	sdelay $0x1  }
0xac: {  	s5 =	simm.s32 @p0 $0x1B8D  }
0xad: {  	_ =	swait.eq @p0 [sflag:s5], $0x1  }
0xae: {  	[sflag:s5] =	ssyncadd.s32 @p0 $0xFFFFFFFF  }
0xaf: {  	s6 =	sshll.u32 @!p0 s1, $0xE  }
0xb0: {  	s6 =	sor.u32 @!p0 $0x4000, s6;
	s5 =	simm.s32 @!p0 $0x1B8D  }
0xb1: {  	s4 =	sshll.u32 @!p0 s4, $0x11;
	s6 =	sadd.s32 @!p0 $0x11B8D, s6;
	_ =	swait.eq @!p0 [sflag:s5], $0x1  }
0xb2: {  	s4 =	sor.u32 @!p0 s4, s6;
	[sflag:s5] =	ssyncadd.s32 @!p0 $0xFFFFFFFF  }
0xb3: {  	s25 =	simm.s32 $0x1B8E;
	s24 =	sld [smem:$0x3FFE];
	[sflag:s4] =	ssyncadd.remote.s32 @!p0 $0x1  }
0xb4: {  	s26 =	simm.s32 $execute0_lowered;
	[smem:$0x3FD2] =	sst s25  }
0xb5: {  	s5 =	sshll.u32 s26, $0x1;
	_ =	strace $0x80000049;
	[dreg:$0x1] =	wrdreg $0xFFFFFFFF  }
0xb6: {  	s28 =	simm.s32 $_size_execute0_lowered;
	s3 =	sadd.s32 s3, s5;
	[dreg:$0x0] =	wrdreg $0x0  }
0xb7: {  	s5 =	sshll.u32 s28, $0x1;
	[dreg:$0x2] =	wrdreg s3  }
0xb8: {  	[dreg:$0x3] =	wrdreg s5  }
0xb9: {  	[dreg:$0x4] =	wrdreg $0xC0  }
0xba: {  	_ =	task [dreg:s22], $0x5FFFF  }
0xbb: {  	[dreg:$0x1] =	wrdreg $0xFFFFFFFF  }
0xbc: {  	[dreg:$0x0] =	wrdreg $0x60  }
0xbd: {  	[dreg:$0x2] =	wrdreg s24  }
0xbe: {  	[dreg:$0x3] =	wrdreg $0x9  }
0xbf: {  	_ =	task.clear_ibuf [dreg:s22], $0x4FFFF;
	_ =	strace $0x90000049  }
0xc0: {  	s29 =	simm.s32 $0x9;
	_ =	strace $0x8000004B  }
0xc1: {  	_ =	swait.ge [sflag:s29], $0x1  }
0xc2: {  	[sflag:s29] =	ssyncadd.s32 $0xFFFFFFFF  }
0xc3: {  	_ =	strace $0x9000004B  }
0xc4: {  	_ =	sfence  }
0xc5: {  	s30 =	sld [smem:$0x0];
	_ =	sdelay $0x2  }
0xc6: {  	s31 =	sshll.u32 s1, $0xD;
	s1 =	sshrl.u32 s1, $0x2  }
0xc7: {  	s4 =	sand.u32 $0x4000, s31;
	s1 =	sadd.s32 s1, s30  }
0xc8: {  	s0 =	sor.u32 s4, s0;
	s1 =	sshll.u32 s1, $0x11  }
0xc9: {  	s0 =	sor.u32 s1, s0  }
0xca: {  	s0 =	sadd.s32 $0x8F2B, s0  }
0xcb: {  	[sflag:s0] =	ssyncadd.remote.s32 $0x1  }
0xcc: {  	_ =	sfence.sel $0xFFFF  }
0xcd: {  	[dreg:$0x0] =	wrdreg $0xFFFFFFFF;
	(pc) =	sbr.abs _section_cstart, $3  }
0xce: {  	[dreg:$0x1] =	wrdreg $0xFFFFFFFF  }
0xcf: {  	_ =	task.clear_ibuf [dreg:s22], $0x2FFFF;
	_ =	strace $0x9FFFFFFF  }
0xd0: {  	(tm) =	ssettm $0x7FFFFFFF  }
0xd1: {  	_ =	shalt  }
tec
execute0_lowered:
.L_overlay_start_1:
0x0: {  	(tag) =	ssettag $0x1  }
0x1: {  	s1 =	srdreg.scid  }
0x2: {  	s0 =	stileid.u32;
	s6 =	rddreg [dreg:$0x0];
	s2 =	simm.s32 $0x0  }
0x3: {  	s10 =	simm.s32 $0x640;
	s11 =	simm.s32 $0xC80;
	s12 =	simm.s32 $0x50  }
0x4: {  	s13 =	simm.s32 $0x1080;
	s14 =	simm.s32 $0x1;
	s15 =	simm.s32 $0x10D0  }
0x5: {  	s5 =	sand.u32 $0x1, s1;
	s30 =	sshll.u32 s0, $0x1;
	s1 =	rddreg [dreg:$0x1]  }
0x6: {  	s16 =	simm.s32 $0x0;
	[smem:$0x7FF] =	sst s2;
	s7 =	sor.u32 s5, s30  }
0x7: {  	s3 =	sadd.s32 $0x724200, s6;
	s9 =	ssub.s32 $0x2, s5;
	s4 =	smul.u32 $0xC8, s7  }
0x8: {  	_ =	strace $0x8000004A;
	s7 =	sshll.u32 s7, $0x1;
	s31 =	sshrl.u32 s9, $0x1  }
0x9: {  	s7 =	sadd.s32 s7, s6;
	s8 =	sadd.s32 s4, s6;
	s4 =	sadd.s32 $0x743600, s6  }
0xa: {  	s9 =	ssub.s32 s9, s31;
	s7 =	sadd.s32 $0x745200, s7;
	s5 =	sadd.s32 $0x722800, s8  }
0xb: {  	s6 =	sadd.s32 $0x743800, s8;
	s8 =	smax.u32 s9, $0x1;
	s9 =	simm.s32 $0x2  }
.LBB2_1:
0xc: {  	[tilespmem:s2], [sflag:$0x2] =	stream.linear.gather [hbm4b:s5+s2], $0x640, $0x38;
	[tilespmem:$0x10E0] =	vst v63  }
0xd: {  	_ =	swait.ge [sflag:s9], $0x640  }
0xe: {  	[sflag:s9] =	ssyncset.done $0x0  }
0xf: {  	[sflag:s9] =	ssyncadd.s32 $0xFFFFF9C0  }
0x10: {  	[tilespmem:s10], [sflag:$0x2] =	stream.linear.gather [hbm4b:s6+s2], $0x640, $0x38;
	[tilespmem:$0x10E0] =	vst v63  }
0x11: {  	_ =	swait.ge [sflag:s9], $0x640  }
0x12: {  	[sflag:s9] =	ssyncset.done $0x0  }
0x13: {  	[sflag:s9] =	ssyncadd.s32 $0xFFFFF9C0  }
0x14: {  	[tilespmem:s11], [sflag:$0x2] =	stream.linear.gather [hbm4b:s4+s2], $0x400, $0x38;
	[tilespmem:$0x10E0] =	vst v63  }
0x15: {  	_ =	swait.ge [sflag:s9], $0x400  }
0x16: {  	[sflag:s9] =	ssyncset.done $0x0  }
0x17: {  	s17 =	simm.s32 $0x640;
	[sflag:s9] =	ssyncadd.s32 $0xFFFFFC00  }
0x18: {  	[tilespmem:s13], [sflag:$0x1] =	stream.indirect.gather [hbm4b:s3+s12], $0x1, s17, s12, $0xb8;
	[tilespmem:$0x10E0] =	vst v63  }
0x19: {  	_ =	swait.ge [sflag:s14], $0x50  }
0x1a: {  	[sflag:s14] =	ssyncset.done $0x0  }
0x1b: {  	s30 =	simm.s32 $0x0;
	[sflag:s14] =	ssyncadd.s32 $0xFFFFFFB0  }
0x1c: {  	v0 =	vld [tilespmem:s30+$0x0]  }
0x1d: {  	v1 =	vld [tilespmem:s30+$0x10]  }
0x1e: {  	v2 =	vld [tilespmem:s30+$0x20]  }
0x1f: {  	v3 =	vld [tilespmem:s30+$0x30]  }
0x20: {  	v4 =	vld [tilespmem:s30+$0x40]  }
0x21: {  	v5 =	vld [tilespmem:$0x1080]  }
0x22: {  	v6 =	vld [tilespmem:$0x1090]  }
0x23: {  	v7 =	vld [tilespmem:$0x10A0]  }
0x24: {  	v0 =	vld.idx.msk [tilespmem:v0+s11+$0x0], $0xffff  }
0x25: {  	v8 =	vld [tilespmem:$0x10B0]  }
0x26: {  	v1 =	vld.idx.msk [tilespmem:v1+s11+$0x0], $0xffff  }
0x27: {  	v9 =	vld [tilespmem:$0x10C0]  }
0x28: {  	v2 =	vld.idx.msk [tilespmem:v2+s11+$0x0], $0xffff  }
0x29: {  	s31 =	simm.s32 $0x690;
	v3 =	vld.idx.msk [tilespmem:v3+s11+$0x0], $0xffff;
	v0 =	vsub.f32 v0, v5  }
0x2a: {  	v4 =	vld.idx.msk [tilespmem:v4+s11+$0x0], $0xffff;
	[tilespmem:s13], [sflag:$0x1] =	stream.indirect.gather [hbm4b:s3+s12], $0x1, s31, s12, $0xb8;
	v5 =	vimm.f32 $0.0e+00  }
0x2b: {  	_ =	swait.ge [sflag:s14], $0x50;
	v1 =	vsub.f32 v1, v6;
	v0 =	vadd.f32 v0, v5  }
0x2c: {  	[sflag:s14] =	ssyncset.done $0x0  }
0x2d: {  	s18 =	simm.s32 $0x50;
	[sflag:s14] =	ssyncadd.s32 $0xFFFFFFB0;
	v2 =	vsub.f32 v2, v7;
	v5 =	vadd.f32 v1, v0  }
0x2e: {  	v1 =	vld [tilespmem:s18+$0x0]  }
0x2f: {  	v6 =	vsub.f32 v3, v8;
	v0 =	vld [tilespmem:s18+$0x10];
	v5 =	vadd.f32 v2, v5  }
0x30: {  	v3 =	vld [tilespmem:s18+$0x20]  }
0x31: {  	v2 =	vld [tilespmem:s18+$0x30];
	v5 =	vadd.f32 v6, v5;
	v6 =	vsub.f32 v4, v9  }
0x32: {  	s17 =	simm.s32 $0x280;
	v4 =	vld [tilespmem:s18+$0x40]  }
.LBB2_2:
0x33: {  	p0 =	sne.s32 s17, $0x17C0;
	v7 =	vld [tilespmem:$0x1080];
	v5 =	vadd.f32 v6, v5;
	s18 =	smov.u32 s17;
	s17 =	sadd.s32 $0x140, s17  }
0x34: {  	v6 =	vld [tilespmem:$0x1090]  }
0x35: {  	v8 =	vld [tilespmem:$0x10A0]  }
0x36: {  	v1 =	vld.idx.msk [tilespmem:v1+s11+$0x0], $0xffff  }
0x37: {  	v0 =	vld.idx.msk [tilespmem:v0+s11+$0x0], $0xffff  }
0x38: {  	v3 =	vld.idx.msk [tilespmem:v3+s11+$0x0], $0xffff  }
0x39: {  	v2 =	vld.idx.msk [tilespmem:v2+s11+$0x0], $0xffff  }
0x3a: {  	v4 =	vld.idx.msk [tilespmem:v4+s11+$0x0], $0xffff  }
0x3b: {  	s18 =	sshra.s32 s18, $0x2;
	v9 =	vld [tilespmem:$0x10B0]  }
0x3c: {  	s19 =	sadd.s32 $0x640, s18;
	v1 =	vsub.f32 v1, v7;
	v7 =	vld [tilespmem:$0x10C0]  }
0x3d: {  	[tilespmem:s13], [sflag:$0x1] =	stream.indirect.gather [hbm4b:s3+s12], $0x1, s19, s12, $0xb8;
	[tilespmem:$0x10E0] =	vst v63  }
0x3e: {  	v0 =	vsub.f32 v0, v6;
	v1 =	vadd.f32 v1, v5;
	_ =	swait.ge [sflag:s14], $0x50  }
0x3f: {  	[sflag:s14] =	ssyncset.done $0x0  }
0x40: {  	v3 =	vsub.f32 v3, v8;
	v5 =	vadd.f32 v0, v1;
	[sflag:s14] =	ssyncadd.s32 $0xFFFFFFB0  }
.Ltmp0:
0x41: {  	v1 =	vld [tilespmem:s18+$0x0];
	(pc) =	sbr.rel @p0 .LBB2_2-.Ltmp0, $4  }
0x42: {  	v6 =	vsub.f32 v2, v9;
	v5 =	vadd.f32 v3, v5;
	v0 =	vld [tilespmem:s18+$0x10]  }
0x43: {  	v3 =	vld [tilespmem:s18+$0x20]  }
0x44: {  	v5 =	vadd.f32 v6, v5;
	v6 =	vsub.f32 v4, v7;
	v2 =	vld [tilespmem:s18+$0x30]  }
0x45: {  	v4 =	vld [tilespmem:s18+$0x40]  }
0x46: {  	_ =	sdelay $0x2  }
0x47: {  	v7 =	vld [tilespmem:$0x1080]  }
0x48: {  	v1 =	vld.idx.msk [tilespmem:v1+s11+$0x0], $0xffff  }
0x49: {  	v8 =	vld [tilespmem:$0x1090]  }
0x4a: {  	v0 =	vld.idx.msk [tilespmem:v0+s11+$0x0], $0xffff  }
0x4b: {  	v9 =	vld [tilespmem:$0x10A0]  }
0x4c: {  	v3 =	vld.idx.msk [tilespmem:v3+s11+$0x0], $0xffff  }
0x4d: {  	v5 =	vadd.f32 v6, v5;
	v59 =	vld [tilespmem:$0x10B0];
	v1 =	vsub.f32 v1, v7  }
0x4e: {  	v2 =	vld.idx.msk [tilespmem:v2+s11+$0x0], $0xffff  }
0x4f: {  	v60 =	vld [tilespmem:$0x10C0];
	v0 =	vsub.f32 v0, v8;
	v1 =	vadd.f32 v1, v5  }
0x50: {  	v4 =	vld.idx.msk [tilespmem:v4+s11+$0x0], $0xffff  }
0x51: {  	v61 =	vsub.f32 v3, v9;
	v0 =	vadd.f32 v0, v1;
	_ =	sdelay $0x1  }
0x52: {  	v62 =	vsub.f32 v2, v59;
	v0 =	vadd.f32 v61, v0;
	_ =	sdelay $0x1  }
0x53: {  	v63 =	vsub.f32 v4, v60;
	v0 =	vadd.f32 v62, v0;
	_ =	sdelay $0x1  }
0x54: {  	s16 =	sadd.s32 $0x1, s16;
	v0 =	vadd.f32 v63, v0  }
0x55: {  	p0 =	sne.s32 s16, s8  }
.Ltmp1:
0x56: {  	[tilespmem:$0x10D0] =	vst v0;
	(pc) =	sbr.rel @p0 .LBB2_1-.Ltmp1, $4  }
0x57: {  	[hbm4b:s7+s2] =	stream.linear.scatter [tilespmem:s15], [sflag:$0x2], $0x10, $0x38;
	[tilespmem:$0x10E0] =	vst v63  }
0x58: {  	_ =	swait.ge [sflag:s9], $0x10  }
0x59: {  	[sflag:s9] =	ssyncset.done $0x0  }
0x5a: {  	[sflag:s9] =	ssyncadd.s32 $0xFFFFFFF0  }
0x5b: {  	_ =	sfence.sel $0x180000  }
0x5c: {  	[bflag:$0x0] =	sbarrier.arrive $0xFFFF  }
0x5d: {  	p0 =	sne.s32 s0, $0x0;
	_ =	strace $0x9000004A  }
0x5e: {  	s0 =	sadd.s32 @!p0 $0x100000, s1;
	[bflag:$0x2] =	sbarrier.arrive $0xFFFF  }
0x5f: {  	[sflag:s0] =	ssyncadd.tile.s32 @!p0 $0x1;
	_ =	shalt  }
.Lfunc_end2:
_tile_overlayer_lowered:
.L_overlay_start_2:
0x60: {  	(tag) =	ssettag $0x2  }
0x61: {  	s0 =	rddreg [dreg:$0x0];
	s2 =	stileid.u32  }
0x62: {  	s1 =	rddreg [dreg:$0x1];
	p0 =	sne.s32 s2, $0x0  }
0x63: {  	s3 =	rddreg [dreg:$0x2];
	[bflag:$0x3] =	sbarrier.arrive $0xFFFF;
	s2 =	simm.s32 @!p0 $0x1C02  }
0x64: {  	[timem:s3], [sflag:s2] =	dma.local @!p0 [hbm:s0], s1  }
0x65: {  	s0 =	simm.s32 @!p0 $0x2  }
0x66: {  	_ =	swait.ge @!p0 [sflag:s0], s1  }
0x67: {  	s1 =	ssub.s32 @!p0 $0x0, s1;
	[sflag:s0] =	ssyncset.done @!p0 $0x0  }
0x68: {  	[sflag:s0] =	ssyncadd.s32 @!p0 s1  }
0x69: {  	[bflag:$0x3] =	sbarrier.arrive $0xFFFF  }
0x6a: {  	_ =	shalt  }

// kernel: sparse-core-data-format-call.cloned.1.call-start
scs
called_computation_lowered:
.L_overlay_start_0:
0x0: {  	s2 =	sld [smem:$0x3FD9]  }
0x1: {  	s3 =	sld [smem:$0x3FFE];
	_ =	sdelay $0x1  }
0x2: {  	s1 =	srdreg.scid  }
0x3: {  	s0 =	sand.u32 $0x1, s1  }
0x4: {  	s16 =	sshll.u32 s0, $0xA;
	s2 =	sadd.s32 s3, s2  }
0x5: {  	s2 =	sadd.s32 s2, s16  }
0x6: {  	[smem:$0x3FC5] =	sst s2  }
0x7: {  	_ = 	snop  }
0x8: {  	s2 =	sld [smem:$0x3FD0];
	_ =	sdelay $0x2  }
0x9: {  	s17 =	simm.s32 $0xB;
	s4 =	simm.s32 $0x10  }
0xa: {  	[smem:s4], [sflag:s17] =	dma.local [hbm:s2], $0x1  }
0xb: {  	_ =	swait.eq [sflag:s17], $0x1  }
0xc: {  	[sflag:s17] =	ssyncset.done $0x0  }
0xd: {  	[sflag:s17] =	ssyncadd.s32 $0xFFFFFFFF  }
0xe: {  	s18 =	sld [smem:$0x10];
	(tm) =	ssettm $0x1  }
0xf: {  	s19 =	sld [smem:$0x3FFB];
	_ =	sdelay $0x3  }
0x10: {  	_ =	strace s19  }
0x11: {  	s2 =	sld [smem:$0x3FFC];
	_ =	sdelay $0x3  }
0x12: {  	_ =	strace s2  }
0x13: {  	s2 =	sld [smem:$0x3FFD];
	_ =	sdelay $0x3  }
0x14: {  	_ =	strace s2  }
0x15: {  	_ =	strace $0x8FFFFFFF  }
0x16: {  	s20 =	sld [smem:$0x3FDB];
	_ =	sdelay $0x1  }
0x17: {  	s21 =	simm.s32 $_scs_section_size  }
0x18: {  	s5 =	simm.s32 $_size__tile_overlayer_lowered;
	s6 =	simm.s32 $_tile_overlayer_lowered  }
0x19: {  	s7 =	simm.s32 $0x1BFF;
	s22 =	sshll.u32 s6, $0x1;
	s4 =	sadd.s32 s21, s20  }
0x1a: {  	s23 =	simm.s32 $0x0;
	s5 =	sshll.u32 s5, $0x1;
	s6 =	sadd.s32 s22, s4  }
0x1b: {  	[timem:s23], [sflag:s7] =	dma.local [hbm:s6], s5  }
0x1c: {  	_ =	swait.ge [sflag:s7], s5  }
0x1d: {  	s5 =	ssub.s32 $0x0, s5;
	[sflag:s7] =	ssyncset.done $0x0  }
0x1e: {  	[sflag:s7] =	ssyncadd.s32 s5;
	_ =	sdelay $0x1  }
0x1f: {  	s24 =	simm.s32 $0x1B8B  }
0x20: {  	_ =	swait.ge [sflag:s24], $0x1  }
0x21: {  	[sflag:s24] =	ssyncset.done $0x0  }
0x22: {  	[sflag:s24] =	ssyncadd.s32 $0xFFFFFFFF  }
0x23: {  	s5 =	sld [smem:$0x0]  }
0x24: {  	s6 =	sand.u32 $0xFFFFFFFE, s1  }
0x25: {  	p0 =	sne.s32 s1, s6  }
0x26: {  	s6 =	sshll.u32 @p0 s6, $0xE  }
0x27: {  	s6 =	sadd.s32 @p0 $0x11B8D, s6;
	s7 =	sshll.u32 @p0 s5, $0x11  }
0x28: {  	s6 =	sor.u32 @p0 s7, s6  }
0x29: {  	[sflag:s6] =	ssyncadd.remote.s32 @p0 $0x1;
	_ =	sdelay $0x1  }
0x2a: {  	s6 =	simm.s32 @p0 $0x1B8D  }
0x2b: {  	_ =	swait.eq @p0 [sflag:s6], $0x1  }
0x2c: {  	[sflag:s6] =	ssyncadd.s32 @p0 $0xFFFFFFFF  }
0x2d: {  	s7 =	sshll.u32 @!p0 s1, $0xE  }
0x2e: {  	s7 =	sor.u32 @!p0 $0x4000, s7;
	s6 =	simm.s32 @!p0 $0x1B8D  }
0x2f: {  	s5 =	sshll.u32 @!p0 s5, $0x11;
	s7 =	sadd.s32 @!p0 $0x11B8D, s7;
	_ =	swait.eq @!p0 [sflag:s6], $0x1  }
0x30: {  	s5 =	sor.u32 @!p0 s5, s7;
	[sflag:s6] =	ssyncadd.s32 @!p0 $0xFFFFFFFF  }
0x31: {  	s26 =	simm.s32 $0x1B8E;
	s25 =	sld [smem:$0x3FFE];
	[sflag:s5] =	ssyncadd.remote.s32 @!p0 $0x1  }
0x32: {  	s27 =	simm.s32 $execute0_lowered;
	[smem:$0x3FD2] =	sst s26  }
0x33: {  	s6 =	sshll.u32 s27, $0x1;
	_ =	strace $0x8000004C;
	[dreg:$0x1] =	wrdreg $0xFFFFFFFF  }
0x34: {  	s28 =	simm.s32 $_size_execute0_lowered;
	s4 =	sadd.s32 s4, s6;
	[dreg:$0x0] =	wrdreg $0x0  }
0x35: {  	s6 =	sshll.u32 s28, $0x1;
	[dreg:$0x2] =	wrdreg s4  }
0x36: {  	[dreg:$0x3] =	wrdreg s6  }
0x37: {  	[dreg:$0x4] =	wrdreg $0xC0  }
0x38: {  	_ =	task [dreg:s23], $0x5FFFF  }
0x39: {  	[dreg:$0x1] =	wrdreg $0xFFFFFFFF  }
0x3a: {  	[dreg:$0x0] =	wrdreg $0x60  }
0x3b: {  	[dreg:$0x2] =	wrdreg s25  }
0x3c: {  	[dreg:$0x3] =	wrdreg s18  }
0x3d: {  	[dreg:$0x4] =	wrdreg $0xA  }
0x3e: {  	_ =	task.clear_ibuf [dreg:s23], $0x5FFFF;
	_ =	strace $0x9000004C  }
0x3f: {  	s29 =	simm.s32 $0xA;
	_ =	strace $0x8000004E  }
0x40: {  	_ =	swait.ge [sflag:s29], $0x1  }
0x41: {  	[sflag:s29] =	ssyncadd.s32 $0xFFFFFFFF  }
0x42: {  	_ =	strace $0x9000004E  }
0x43: {  	_ =	sfence  }
0x44: {  	s30 =	sld [smem:$0x0];
	_ =	sdelay $0x2  }
0x45: {  	s31 =	sshll.u32 s1, $0xD;
	s1 =	sshrl.u32 s1, $0x2  }
0x46: {  	s4 =	sand.u32 $0x4000, s31;
	s1 =	sadd.s32 s1, s30  }
0x47: {  	s0 =	sor.u32 s4, s0;
	s1 =	sshll.u32 s1, $0x11  }
0x48: {  	s0 =	sor.u32 s1, s0  }
0x49: {  	s0 =	sadd.s32 $0x8F2B, s0  }
0x4a: {  	[sflag:s0] =	ssyncadd.remote.s32 $0x1  }
0x4b: {  	_ =	sfence.sel $0xFFFF  }
0x4c: {  	[dreg:$0x0] =	wrdreg $0xFFFFFFFF;
	(pc) =	sbr.abs _section_cstart, $3  }
0x4d: {  	[dreg:$0x1] =	wrdreg $0xFFFFFFFF  }
0x4e: {  	_ =	task.clear_ibuf [dreg:s23], $0x2FFFF;
	_ =	strace $0x9FFFFFFF  }
0x4f: {  	(tm) =	ssettm $0x7FFFFFFF  }
tec
execute0_lowered:
.L_overlay_start_1:
0x0: {  	(tag) =	ssettag $0x1  }
0x1: {  	s4 =	rddreg [dreg:$0x0]  }
0x2: {  	s0 =	stileid.u32;
	s2 =	rddreg [dreg:$0x1]  }
0x3: {  	s7 =	srdreg.scid;
	s31 =	simm.s32 $0x2;
	s17 =	simm.s32 $0x0  }
0x4: {  	s9 =	simm.s32 $0x2000;
	s19 =	simm.s32 $0x0;
	s18 =	simm.s32 $0x0  }
0x5: {  	s10 =	simm.s32 $0x0;
	s11 =	simm.s32 $0x0;
	s1 =	sshll.u32 s0, $0x7  }
0x6: {  	s12 =	simm.s32 $0x0;
	s14 =	simm.s32 $0x0;
	s3 =	sand.u32 $0x380, s1  }
0x7: {  	s16 =	simm.s32 $0x0;
	s4 =	sadd.s32 $0x22800, s4;
	s5 =	ssub.s32 $0x400, s3  }
0x8: {  	s8 =	sshll.u32 s0, $0x4;
	s7 =	sshll.u32 s7, $0x8;
	s6 =	sand.u32 $0x380, s5  }
0x9: {  	s1 =	rddreg [dreg:$0x2];
	p0 =	sne.s32 s6, $0x0;
	s6 =	simm.s32 $0x1  }
.Ltmp0:
0xa: {  	s5 =	sshrl.u32 s5, $0xA;
	s6 =	simm.s32 @!p0 $0x0;
	(pc) =	sbr.rel .LBB1_1-.Ltmp0, $4  }
0xb: {  	_ =	strace $0x8000004D;
	s7 =	sor.u32 s8, s7;
	s6 =	sadd.s32 s6, s5  }
0xc: {  	s7 =	sand.u32 $0x180, s7;
	s5 =	simm.s32 $0x1;
	s6 =	smul.u32 $0x64, s6  }
0xd: {  	s15 =	smov.u32 s3;
	s13 =	smov.u32 s7;
	[sflag:s5] =	ssyncpa.u1 $0x0  }
0xe: {  	p0 =	por $0x0, $0x0;
	[sflag:s31] =	ssyncpa.u1 $0x0;
	s8 =	sor.u32 $0x1, s6  }
.LBB1_4:
0xf: {  	s25 =	sshll.u32 s10, $0xA;
	s24 =	sshra.s32 s24, $0x2;
	s26 =	sshll.u32 s12, $0x3  }
0x10: {  	p1 =	sgt.s32 s11, $0x31;
	s27 =	smov.u32 s11;
	s28 =	sshra.s32 s11, $0x1F  }
0x11: {  	p2 =	sgt.s32 s12, $0x380;
	s31 =	sshra.s32 s12, $0x1F;
	s25 =	sand.u32 $0xFFFFE000, s25  }
0x12: {  	s26 =	sand.u32 $0xFFFFFC00, s26;
	s27 =	simm.s32 @!p1 $0x31;
	s28 =	sand.u32 s28, s11  }
0x13: {  	[tilespmem:s22+$0x2040 ss:$0x81] =	vst.msk $0xffff, v4;
	s23 =	sadd.s32 s24, s23;
	s29 =	sadd.s32 s26, s25;
	s25 =	ssub.s32 s27, s28  }
0x14: {  	[tilespmem:s22+$0x2850 ss:$0x81] =	vst.msk $0xffff, v3;
	s27 =	smov.u32 s12;
	s28 =	smov.u32 s10;
	s26 =	sand.u32 s31, s12  }
0x15: {  	[tilespmem:s22+$0x3060 ss:$0x81] =	vst.msk $0xffff, v2;
	s24 =	sshrl.u32 s29, $0xA;
	s30 =	sadd.s32 $0xFFFFFFCF, s25;
	s27 =	simm.s32 @!p2 $0x380  }
0x16: {  	v5 =	vld [tilespmem:s21+$0xFFFFFFD0];
	[tilespmem:s22+$0x0 ss:$0x81] =	vst.msk $0xffff, v1;
	p2 =	sgt.s32 s10, $0x368;
	s29 =	sshra.s32 s10, $0x1F;
	s22 =	ssub.s32 $0x32, s25  }
0x17: {  	v58 =	vld [tilespmem:s21+$0xFFFFFFE0];
	p1 =	sgt.s32 s30, $0x0;
	s28 =	simm.s32 @!p2 $0x368;
	s29 =	sand.u32 s29, s10  }
0x18: {  	v59 =	vld [tilespmem:s21+$0xFFFFFFF0];
	s26 =	ssub.s32 s27, s26;
	s27 =	smulhi.u32 $0x418938, s24;
	s28 =	ssub.s32 s28, s29  }
0x19: {  	v60 =	vld [tilespmem:s21+$0x0];
	s30 =	sadd.s32 $0xFFFFFC80, s26;
	s25 =	ssub.s32 $0x400, s26;
	s22 =	simm.s32 @p1 $0x0  }
0x1a: {  	v61 =	vld [tilespmem:s21+$0x10];
	[tilespmem:s23+$0x3870 ss:$0x81] =	vst.msk $0xffff, v0;
	s29 =	sand.u32 $0x78, s12;
	p2 =	sgt.s32 s30, $0x7F;
	s31 =	sadd.s32 $0xFFFFFC98, s28  }
0x1b: {  	v62 =	vld [tilespmem:s21+$0x20];
	[tilespmem:s23+$0x810 ss:$0x81] =	vst.msk $0xffff, v5;
	s27 =	smul.u32 $0x3E8, s27;
	s30 =	sshll.u32 s10, $0x7;
	s28 =	ssub.s32 $0x3E8, s28  }
0x1c: {  	v63 =	vld [tilespmem:s21+$0xFFFFFFC0];
	[tilespmem:s23+$0x1020 ss:$0x81] =	vst.msk $0xffff, v58;
	s25 =	simm.s32 @p2 $0x0;
	p1 =	sgt.s32 s31, $0x7F;
	s31 =	smul.u32 $0x1F400, s11  }
0x1d: {  	[tilespmem:s23+$0x1830 ss:$0x81] =	vst.msk $0xffff, v59;
	s21 =	sand.u32 $0x380, s30;
	s22 =	smul.u32 s25, s22;
	s28 =	simm.s32 @p1 $0x0  }
0x1e: {  	[tilespmem:s23+$0x2040 ss:$0x81] =	vst.msk $0xffff, v60;
	s21 =	sor.u32 s29, s21;
	s24 =	ssub.s32 s24, s27;
	s29 =	sand.u32 $0x7, s12  }
0x1f: {  	[tilespmem:s23+$0x2850 ss:$0x81] =	vst.msk $0xffff, v61;
	s21 =	sshrl.u32 s21, $0x3;
	s25 =	sadd.s32 s2, s31;
	s22 =	smul.u32 s28, s22  }
0x20: {  	[tilespmem:s23+$0x3060 ss:$0x81] =	vst.msk $0xffff, v62;
	s24 =	sshll.u32 s24, $0x7;
	s30 =	sshll.u32 s29, $0x12;
	s21 =	sadd.s32 s21, s25  }
0x21: {  	[tilespmem:s23+$0x0 ss:$0x81] =	vst.msk $0xffff, v63;
	s31 =	sor.u32 $0x400, s30;
	s21 =	sadd.s32 s24, s21;
	s22 =	sand.u32 $0x3FFFFFFF, s22  }
0x22: {  	[hbm4b:s21+s31] =	stream.strided.scatter [tilespmem:s20], [sflag:$0x2], s22, s9, s31, $0x20;
	[tilespmem:$0x10100] =	vst v63  }
.LBB1_5:
0x23: {  	p1 =	slt.u32 s16, $0x2  }
0x24: {  	p2 =	sgt.s32 @!p1 s19, $0x31  }
0x25: {  	s20 =	smov.u32 s19;
	s21 =	sshra.s32 @!p1 s19, $0x1F;
	p2 =	por !p2, p1  }
0x26: {  	s19 =	sand.u32 @!p1 s21, s19;
	s20 =	simm.s32 @p2 $0x31  }
0x27: {  	p3 =	sgt.s32 @!p1 s17, $0x368;
	s19 =	ssub.s32 @!p1 s20, s19  }
0x28: {  	p4 =	sgt.s32 @!p1 s18, $0x380;
	s22 =	sshra.s32 @!p1 s18, $0x1F;
	s20 =	sadd.s32 @!p1 $0xFFFFFFCF, s19  }
0x29: {  	s21 =	smov.u32 s17;
	p2 =	sgt.s32 @!p1 s20, $0x0;
	s20 =	sshra.s32 @!p1 s17, $0x1F  }
0x2a: {  	p4 =	por !p4, p1;
	s17 =	sand.u32 @!p1 s20, s17;
	s20 =	smov.u32 s18  }
0x2b: {  	p3 =	por !p3, p1;
	s18 =	sand.u32 @!p1 s22, s18;
	s20 =	simm.s32 @p4 $0x380  }
0x2c: {  	s21 =	simm.s32 @p3 $0x368;
	s19 =	ssub.s32 @!p1 $0x32, s19;
	s18 =	ssub.s32 @!p1 s20, s18  }
0x2d: {  	p2 =	por !p2, p1;
	s17 =	ssub.s32 @!p1 s21, s17;
	s21 =	sadd.s32 @!p1 $0xFFFFFC80, s18  }
0x2e: {  	s19 =	simm.s32 @!p2 $0x0;
	p3 =	sgt.s32 @!p1 s21, $0x7F  }
0x2f: {  	s20 =	sadd.s32 @!p1 $0xFFFFFC98, s17;
	s18 =	ssub.s32 @!p1 $0x400, s18;
	p3 =	por !p3, p1  }
0x30: {  	p2 =	sgt.s32 @!p1 s20, $0x7F;
	s20 =	sadd.s32 $0x200, s13;
	s18 =	simm.s32 @!p3 $0x0  }
0x31: {  	p3 =	sgt.s32 s20, $0x3E7;
	s18 =	smul.u32 @!p1 s18, s19;
	s19 =	simm.s32 $0x1  }
0x32: {  	s17 =	ssub.s32 @!p1 $0x3E8, s17;
	p2 =	por !p2, p1;
	s19 =	simm.s32 @!p3 $0x0  }
0x33: {  	s22 =	smov.u32 s15;
	s17 =	simm.s32 @!p2 $0x0;
	s21 =	sadd.s32 s19, s14  }
0x34: {  	s17 =	smul.u32 @!p1 s17, s18;
	s18 =	sadd.s32 $0x400, s15;
	p2 =	sgt.s32 s21, $0x31  }
0x35: {  	p0 =	por !p0, !p0;
	s23 =	simm.s32 @!p1 $0x2;
	s22 =	smov.u32 @p2 s18  }
0x36: {  	s20 =	smov.u32 @p3 s7;
	s21 =	simm.s32 @p2 $0x0;
	p2 =	sgt.s32 s22, $0x3FF  }
0x37: {  	s19 =	smov.u32 s11;
	s22 =	smov.u32 @p2 s3;
	p2 =	sne.s32 s16, s8  }
.Ltmp1:
0x38: {  	s11 =	smov.u32 s14;
	s17 =	sand.u32 @!p1 $0x3FFFFFFF, s17;
	(pc) =	sbr.rel @!p2 .LBB1_6-.Ltmp1, $4  }
0x39: {  	s18 =	smov.u32 s12;
	s12 =	smov.u32 s15;
	_ =	swait.ge @!p1 [sflag:s23], s17  }
0x3a: {  	s24 =	ssub.s32 @!p1 $0x0, s17;
	s17 =	smov.u32 s10;
	s10 =	smov.u32 s13  }
0x3b: {  	s13 =	smov.u32 s20;
	s14 =	smov.u32 s21;
	[sflag:s23] =	ssyncset.done @!p1 $0x0  }
0x3c: {  	s16 =	sadd.s32 $0x1, s16;
	[sflag:s23] =	ssyncadd.s32 @!p1 s24;
	s15 =	smov.u32 s22  }
.LBB1_1:
0x3d: {  	p1 =	sge.u32 s16, s6  }
0x3e: {  	s20 =	sshll.u32 @!p1 s14, $0xA  }
0x3f: {  	s21 =	sshll.u32 @!p1 s13, $0x3;
	s20 =	sand.u32 @!p1 $0xFFFFE000, s20  }
0x40: {  	s20 =	sadd.s32 @!p1 s20, s21  }
0x41: {  	s20 =	sshrl.u32 @!p1 s20, $0xA  }
0x42: {  	s21 =	smulhi.u32 @!p1 $0x4924925, s20  }
0x43: {  	s22 =	sshll.u32 @!p1 s14, $0x7;
	s24 =	smul.u32 @!p1 $0x1C00, s15  }
0x44: {  	s23 =	sand.u32 @!p1 $0x78, s13;
	s22 =	sand.u32 @!p1 $0x380, s22;
	s21 =	smul.u32 @!p1 $0x38, s21  }
0x45: {  	s31 =	sadd.s32 $0xFFFFFFFF, s16;
	s22 =	sor.u32 @!p1 s23, s22;
	s23 =	sadd.s32 @!p1 s4, s24  }
0x46: {  	s22 =	sshrl.u32 @!p1 s22, $0x3;
	s20 =	ssub.s32 @!p1 s20, s21;
	s21 =	sxor.u32 @!p1 $0xFFFFFFFF, s16  }
0x47: {  	s22 =	sadd.s32 @!p1 s22, s23;
	s23 =	sand.u32 @!p1 $0x7, s13;
	s21 =	sshll.u32 @!p1 s21, $0xE  }
0x48: {  	s23 =	sshll.u32 @!p1 s23, $0x12;
	s20 =	sshll.u32 @!p1 s20, $0x7;
	s21 =	sand.u32 @!p1 $0x4000, s21  }
0x49: {  	s20 =	sadd.s32 @!p1 s20, s22;
	s22 =	sor.u32 @!p1 $0x80, s23;
	s23 =	simm.s32 @!p1 $0xE000  }
0x4a: {  	[tilespmem:s21], [sflag:$0x1] =	stream.strided.gather @!p1 [hbm4b:s20+s22], $0x4000, s23, s22, $0x38;
	[tilespmem:$0x10100] =	vst v63  }
0x4b: {  	p1 =	sge.u32 s31, s6  }
.Ltmp2:
0x4c: {  	_ = 	snop;
	(pc) =	sbr.rel @p1 .LBB1_5-.Ltmp2, $1  }
0x4d: {  	_ =	sdelay $0x3  }
0x4e: {  	s20 =	simm.s32 $0x1  }
0x4f: {  	_ =	swait.ge [sflag:s5], $0x4000;
	s20 =	simm.s32 @!p0 $0x0  }
0x50: {  	[sflag:s5] =	ssyncset.done $0x0;
	s21 =	sshll.u32 s20, $0xE  }
0x51: {  	[sflag:s5] =	ssyncadd.s32 $0xFFFFC000;
	s21 =	sor.u32 $0x40, s21  }
0x52: {  	s20 =	smul.u32 $0x10200, s20;
	v0 =	vld [tilespmem:s21+$0x30]  }
0x53: {  	v1 =	vld [tilespmem:s21+$0xFFFFFFD0]  }
0x54: {  	s20 =	sshrl.u32 s20, $0x2;
	v5 =	vld [tilespmem:s21+$0xFFFFFFE0]  }
0x55: {  	v6 =	vld [tilespmem:s21+$0xFFFFFFF0];
	s23 =	sor.u32 $0x8000, s20  }
0x56: {  	s31 =	sand.u32 $0x1, s16;
	v4 =	vld [tilespmem:s21+$0x0];
	s22 =	sadd.s32 $0x0, s23  }
0x57: {  	v3 =	vld [tilespmem:s21+$0x10];
	s20 =	smul.u32 $0x10200, s31;
	[tilespmem:s22+$0x3870 ss:$0x81] =	vst.msk $0xffff, v0  }
0x58: {  	v2 =	vld [tilespmem:s21+$0x20];
	[tilespmem:s22+$0x810 ss:$0x81] =	vst.msk $0xffff, v1  }
0x59: {  	s20 =	sshrl.u32 s20, $0x2;
	v1 =	vld [tilespmem:s21+$0xFFFFFFC0];
	[tilespmem:s22+$0x1020 ss:$0x81] =	vst.msk $0xffff, v5;
	s21 =	sadd.s32 $0x80, s21  }
0x5a: {  	s24 =	simm.s32 $0x4;
	s25 =	simm.s32 $0x8;
	s20 =	sor.u32 $0x8000, s20;
	[tilespmem:s22+$0x1830 ss:$0x81] =	vst.msk $0xffff, v6;
	v0 =	vld [tilespmem:s21+$0x30]  }
.LBB1_3:
0x5b: {  	p1 =	sne.s32 s25, $0x1FC;
	v5 =	vld [tilespmem:s21+$0xFFFFFFD0];
	[tilespmem:s22+$0x2040 ss:$0x81] =	vst.msk $0xffff, v4  }
0x5c: {  	v6 =	vld [tilespmem:s21+$0xFFFFFFE0];
	[tilespmem:s22+$0x2850 ss:$0x81] =	vst.msk $0xffff, v3  }
0x5d: {  	s26 =	sshra.s32 s24, $0x2;
	s24 =	smov.u32 s25;
	v7 =	vld [tilespmem:s21+$0xFFFFFFF0];
	[tilespmem:s22+$0x3060 ss:$0x81] =	vst.msk $0xffff, v2  }
.Ltmp3:
0x5e: {  	v4 =	vld [tilespmem:s21+$0x0];
	[tilespmem:s22+$0x0 ss:$0x81] =	vst.msk $0xffff, v1;
	s22 =	sadd.s32 s26, s23;
	(pc) =	sbr.rel @p1 .LBB1_3-.Ltmp3, $4  }
0x5f: {  	v3 =	vld [tilespmem:s21+$0x10];
	[tilespmem:s22+$0x3870 ss:$0x81] =	vst.msk $0xffff, v0  }
0x60: {  	[tilespmem:s22+$0x810 ss:$0x81] =	vst.msk $0xffff, v5;
	v2 =	vld [tilespmem:s21+$0x20]  }
0x61: {  	v1 =	vld [tilespmem:s21+$0xFFFFFFC0];
	[tilespmem:s22+$0x1020 ss:$0x81] =	vst.msk $0xffff, v6;
	s21 =	sadd.s32 $0x80, s21  }
0x62: {  	s25 =	sadd.s32 $0x4, s25;
	v0 =	vld [tilespmem:s21+$0x30];
	[tilespmem:s22+$0x1830 ss:$0x81] =	vst.msk $0xffff, v7  }
.Ltmp4:
0x63: {  	_ = 	snop;
	(pc) =	sbr.rel .LBB1_4-.Ltmp4, $1  }
0x64: {  	_ =	sdelay $0x3  }
.LBB1_6:
0x65: {  	_ =	sfence.sel $0x180000  }
0x66: {  	s2 =	simm.s32 $0x1;
	[bflag:$0x0] =	sbarrier.arrive $0xFFFF  }
0x67: {  	s31 =	simm.s32 $0x2;
	[sflag:s2] =	ssyncpa.u1 $0x1  }
0x68: {  	[sflag:s31] =	ssyncpa.u1 $0x1  }
0x69: {  	p0 =	sne.s32 s0, $0x0;
	_ =	strace $0x9000004D  }
0x6a: {  	s0 =	sadd.s32 @!p0 $0x100000, s1;
	[bflag:$0x2] =	sbarrier.arrive $0xFFFF  }
0x6b: {  	[sflag:s0] =	ssyncadd.tile.s32 @!p0 $0x1;
	_ =	shalt  }
.Lfunc_end1:
_tile_overlayer_lowered:
.L_overlay_start_2:
0x6c: {  	(tag) =	ssettag $0x2  }
0x6d: {  	s0 =	rddreg [dreg:$0x0];
	s2 =	stileid.u32  }
0x6e: {  	s1 =	rddreg [dreg:$0x1];
	p0 =	sne.s32 s2, $0x0  }
0x6f: {  	s3 =	rddreg [dreg:$0x2];
	[bflag:$0x3] =	sbarrier.arrive $0xFFFF;
	s2 =	simm.s32 @!p0 $0x1C01  }
0x70: {  	[timem:s3], [sflag:s2] =	dma.local @!p0 [hbm:s0], s1  }
0x71: {  	s0 =	simm.s32 @!p0 $0x1  }
0x72: {  	_ =	swait.ge @!p0 [sflag:s0], s1  }
0x73: {  	s1 =	ssub.s32 @!p0 $0x0, s1;
	[sflag:s0] =	ssyncset.done @!p0 $0x0  }
0x74: {  	[sflag:s0] =	ssyncadd.s32 @!p0 s1  }
0x75: {  	[bflag:$0x3] =	sbarrier.arrive $0xFFFF  }
0x76: {  	_ =	shalt  }

</sc_bundles>
